<compile_context>
chip_gen: v7x
topology: tpu7x:2x2x1
jax: 0.10.2.dev20260603
libtpu: 0.0.44.dev20260713+nightly
codegen_flags: <defaults>
</compile_context>

<pallas_src>
import functools
import jax
import jax.numpy as jnp
from jax import lax
from jax.experimental import pallas as pl
from jax.experimental.pallas import tpu as pltpu
from jax.experimental.pallas import tpu_sc as plsc

N = 10000
E = 320000
F = 128
NC, NS = 2, 16
NW = NC * NS
EPW = E // NW
CH = 128
NFULL = EPW // CH
REM = EPW - NFULL * CH
NACC = N + 1
RPS = 624
TAIL = NACC - NS * RPS

_mesh = plsc.VectorSubcoreMesh(core_axis_name="c", subcore_axis_name="s")



def _acc_init(z_hbm, acc, s):
    r0 = s * RPS
    pltpu.sync_copy(z_hbm.at[pl.ds(r0, RPS)], acc.at[pl.ds(r0, RPS)])

    @pl.when(s == NS - 1)
    def _():
        pltpu.sync_copy(z_hbm.at[pl.ds(NS * RPS, TAIL)],
                        acc.at[pl.ds(NS * RPS, TAIL)])


def _acc_out(acc, out_hbm, c, s):
    r0 = s * RPS
    pltpu.sync_copy(acc.at[pl.ds(r0, RPS)], out_hbm.at[c, pl.ds(r0, RPS)])

    @pl.when(s == NS - 1)
    def _():
        pltpu.sync_copy(acc.at[pl.ds(NS * RPS, N - NS * RPS)],
                        out_hbm.at[c, pl.ds(NS * RPS, N - NS * RPS)])


@functools.partial(
    pl.kernel,
    out_type=jax.ShapeDtypeStruct((NC, N, F), jnp.float32),
    mesh=_mesh,
    scratch_types=[
        pltpu.VMEM((CH,), jnp.int32),
        pltpu.VMEM((CH,), jnp.int32),
        pltpu.VMEM((REM,), jnp.int32),
        pltpu.VMEM((CH, F), jnp.float32),
        pltpu.VMEM_SHARED((NACC, F), jnp.float32),
        pltpu.SemaphoreType.DMA,
        pltpu.SemaphoreType.DMA,
        pltpu.SemaphoreType.DMA,
        pltpu.SemaphoreType.DMA,
    ],
)
def _sc_degree(dst_hbm, ones_hbm, z_hbm, out_hbm, dia, dib, didx2, ones_v,
               acc, si1, si2, sga, sgb):
    c = lax.axis_index("c")
    s = lax.axis_index("s")
    wid = s * NC + c
    _acc_init(z_hbm, acc, s)
    pltpu.sync_copy(ones_hbm, ones_v)
    plsc.subcore_barrier()
    base = wid * EPW

    def pair(j, carry):
        off = base + 2 * j * CH
        h1 = pltpu.async_copy(dst_hbm.at[pl.ds(off, CH)], dia, si1)
        h2 = pltpu.async_copy(dst_hbm.at[pl.ds(off + CH, CH)], dib, si2)
        h1.wait()
        sa = pltpu.async_copy(ones_v, acc.at[dia], sga, add=True)
        h2.wait()
        sb = pltpu.async_copy(ones_v, acc.at[dib], sgb, add=True)
        sa.wait()
        sb.wait()
        return carry

    lax.fori_loop(0, NFULL // 2, pair, 0)
    off = base + NFULL * CH
    pltpu.sync_copy(dst_hbm.at[pl.ds(off, REM)], didx2)
    pltpu.sync_copy(ones_v.at[pl.ds(0, REM)], acc.at[didx2], add=True)
    plsc.subcore_barrier()
    _acc_out(acc, out_hbm, c, s)



@functools.partial(
    pl.kernel,
    out_type=jax.ShapeDtypeStruct((NC, N, F), jnp.float32),
    mesh=_mesh,
    scratch_types=[
        pltpu.VMEM((CH,), jnp.int32),
        pltpu.VMEM((CH,), jnp.int32),
        pltpu.VMEM((CH,), jnp.int32),
        pltpu.VMEM((CH,), jnp.int32),
        pltpu.VMEM((CH, F), jnp.float32),
        pltpu.VMEM((CH, F), jnp.float32),
        pltpu.VMEM((REM,), jnp.int32),
        pltpu.VMEM((REM,), jnp.int32),
        pltpu.VMEM((REM, F), jnp.float32),
        pltpu.VMEM_SHARED((NACC, F), jnp.float32),
        pltpu.SemaphoreType.DMA,
        pltpu.SemaphoreType.DMA,
        pltpu.SemaphoreType.DMA,
        pltpu.SemaphoreType.DMA,
        pltpu.SemaphoreType.DMA,
        pltpu.SemaphoreType.DMA,
    ],
)
def _sc_scatter(y_hbm, src_hbm, dst_hbm, z_hbm, out_hbm,
                sia, sib, dia, dib, rows_a, rows_b, sidx2, didx2, rows2, acc,
                si1, si2, si3, si4, sga, sgb):
    c = lax.axis_index("c")
    s = lax.axis_index("s")
    wid = s * NC + c
    _acc_init(z_hbm, acc, s)
    plsc.subcore_barrier()
    base = wid * EPW

    def pair(j, carry):
        off = base + 2 * j * CH
        h1 = pltpu.async_copy(src_hbm.at[pl.ds(off, CH)], sia, si1)
        h2 = pltpu.async_copy(dst_hbm.at[pl.ds(off, CH)], dia, si2)
        h3 = pltpu.async_copy(src_hbm.at[pl.ds(off + CH, CH)], sib, si3)
        h4 = pltpu.async_copy(dst_hbm.at[pl.ds(off + CH, CH)], dib, si4)
        h1.wait()
        ga = pltpu.async_copy(y_hbm.at[sia], rows_a, sga)
        h3.wait()
        gb = pltpu.async_copy(y_hbm.at[sib], rows_b, sgb)
        ga.wait()
        h2.wait()
        sa = pltpu.async_copy(rows_a, acc.at[dia], si1, add=True)
        gb.wait()
        h4.wait()
        sb = pltpu.async_copy(rows_b, acc.at[dib], si2, add=True)
        sa.wait()
        sb.wait()
        return carry

    lax.fori_loop(0, NFULL // 2, pair, 0)
    off = base + NFULL * CH
    pltpu.sync_copy(src_hbm.at[pl.ds(off, REM)], sidx2)
    pltpu.sync_copy(dst_hbm.at[pl.ds(off, REM)], didx2)
    pltpu.async_copy(y_hbm.at[sidx2], rows2, sga).wait()
    pltpu.sync_copy(rows2, acc.at[didx2], add=True)
    plsc.subcore_barrier()
    _acc_out(acc, out_hbm, c, s)



RB = 2000


def _k1_body(x_ref, w_ref, dega_ref, degb_ref, xlin_ref, y_ref, dinv_ref):
    dv = lax.rsqrt(dega_ref[:, 0:1] + degb_ref[:, 0:1] + 1.0)
    xl = jnp.dot(x_ref[...], w_ref[...], preferred_element_type=jnp.float32)
    xlin_ref[...] = xl
    y_ref[...] = xl * dv
    dinv_ref[...] = dv


def _k2_body(a_ref, b_ref, xlin_ref, dinv_ref, bias_ref, w_ref,
             xlin2_ref, y2_ref):
    dv = dinv_ref[...]
    agg = (a_ref[...] + b_ref[...]) * dv + xlin_ref[...] * (dv * dv)
    h = jnp.maximum(agg + bias_ref[...], 0.0)
    xl2 = jnp.dot(h, w_ref[...], preferred_element_type=jnp.float32)
    xlin2_ref[...] = xl2
    y2_ref[...] = xl2 * dv


def _k3_body(a_ref, b_ref, xlin_ref, dinv_ref, bias_ref, w_ref, gb_ref,
             gx_ref):
    dv = dinv_ref[...]
    agg = (a_ref[...] + b_ref[...]) * dv + xlin_ref[...] * (dv * dv)
    h = jnp.maximum(agg + bias_ref[...], 0.0)
    gx_ref[...] = (jnp.dot(h, w_ref[...], preferred_element_type=jnp.float32)
                   + gb_ref[...])




def _row_spec(w):
    return pl.BlockSpec((RB, w), lambda i: (i, 0))


def _full_spec(shape):
    return pl.BlockSpec(shape, lambda i: tuple(0 for _ in shape))


def _lstm_body(gx_ref, whh_ref, wfc_ref, bfc_ref, mask_ref, out_ref):
    def step(t, carry):
        X, c = carry
        hw = jnp.dot(X, whh_ref[...], preferred_element_type=jnp.float32)
        pre = gx_ref[t] + hw
        th2 = jnp.tanh(pre * 0.5)
        th = jnp.tanh(pre)
        i = th2[0:1] * 0.5 + 0.5
        f = th2[1:2] * 0.5 + 0.5
        g = th[2:3]
        o = th2[3:4] * 0.5 + 0.5
        c2 = f * c + i * g
        om = mask_ref[...] * o
        X2 = om * jnp.tanh(c2)
        return (X2, c2)

    def step4(t, carry):
        for k in range(8):
            carry = step(8 * t + k, carry)
        return carry

    X0 = jnp.zeros((4, F), jnp.float32)
    c0 = jnp.zeros((1, F), jnp.float32)
    XN, _ = lax.fori_loop(0, N // 8, step4, (X0, c0))
    out_ref[...] = (jnp.sum(XN * wfc_ref[...]) + bfc_ref[0, 0]).reshape(1, 1)



def _pad2(a, r, c):
    return jnp.zeros((r, c), jnp.float32).at[:a.shape[0], :a.shape[1]].set(a)


@jax.jit
def kernel(x, edge_index, W1, b1, W2, b2, W_ih, W_hh, b_ih, b_hh, Wfc, bfc):
    src = edge_index[0].astype(jnp.int32)
    dst = edge_index[1].astype(jnp.int32)
    z128 = jnp.zeros((NACC, F), jnp.float32)
    ones = jnp.ones((CH, F), jnp.float32)

    W1p = _pad2(W1, F, F)
    W2p = _pad2(W2, F, F)
    Wihp = _pad2(W_ih.T, F, F)
    Wih_rep = jnp.broadcast_to(
        Wihp.reshape(F, 4, 1, 32), (F, 4, 4, 32)).reshape(F, 4 * F)
    whh_rep = jnp.tile(
        jnp.transpose(W_hh.reshape(4, 32, 32), (0, 2, 1)),
        (1, 1, 4)).reshape(F, F)
    mask4 = jnp.repeat(jnp.eye(4, dtype=jnp.float32), 32, axis=1)
    wfc_rep = jnp.tile(Wfc[:, 0], 4).reshape(1, F) * 0.25
    b1p = _pad2(b1[None, :], 1, F)
    b2p = _pad2(b2[None, :], 1, F)
    gbias = _pad2((b_ih + b_hh)[None, :], 1, F)
    gbias_rep = jnp.broadcast_to(
        gbias.reshape(1, 4, 1, 32), (1, 4, 4, 32)).reshape(1, 4 * F)
    bfc2d = bfc.reshape(1, 1)

    deg_parts = _sc_degree(dst, ones, z128)

    grid = (N // RB,)
    xlin1, y1, dinv2d = pl.pallas_call(
        _k1_body,
        grid=grid,
        in_specs=[_row_spec(F), _full_spec((F, F)), _row_spec(F),
                  _row_spec(F)],
        out_specs=[_row_spec(F), _row_spec(F), _row_spec(1)],
        out_shape=[jax.ShapeDtypeStruct((N, F), jnp.float32),
                   jax.ShapeDtypeStruct((N, F), jnp.float32),
                   jax.ShapeDtypeStruct((N, 1), jnp.float32)],
    )(x, W1p, deg_parts[0], deg_parts[1])

    acc1 = _sc_scatter(y1, src, dst, z128)

    xlin2, y2 = pl.pallas_call(
        _k2_body,
        grid=grid,
        in_specs=[_row_spec(F), _row_spec(F), _row_spec(F), _row_spec(1),
                  _full_spec((1, F)), _full_spec((F, F))],
        out_specs=[_row_spec(F), _row_spec(F)],
        out_shape=[jax.ShapeDtypeStruct((N, F), jnp.float32)] * 2,
    )(acc1[0], acc1[1], xlin1, dinv2d, b1p, W2p)

    acc2 = _sc_scatter(y2, src, dst, z128)

    gx = pl.pallas_call(
        _k3_body,
        grid=grid,
        in_specs=[_row_spec(F), _row_spec(F), _row_spec(F), _row_spec(1),
                  _full_spec((1, F)), _full_spec((F, 4 * F)),
                  _full_spec((1, 4 * F))],
        out_specs=_row_spec(4 * F),
        out_shape=jax.ShapeDtypeStruct((N, 4 * F), jnp.float32),
    )(acc2[0], acc2[1], xlin2, dinv2d, b2p, Wih_rep, gbias_rep)

    out = pl.pallas_call(
        _lstm_body,
        out_shape=jax.ShapeDtypeStruct((1, 1), jnp.float32),
    )(gx.reshape(N, 4, F), whh_rep, wfc_rep, bfc2d, mask4)
    return out

# --- scband reference (transcript-rebuilt; emitter-appended) ---
"""Pipeline reference for scband-graph-level-gnnwith-lstm-51908974740046 (READ-ONLY COPY).

The authoritative reference and input builder live on the scoring server;
editing this copy changes nothing except your own understanding.
"""

import jax, jax.numpy as jnp
import numpy as np

N_NODES = 10000
N_EDGES = 320000
D_IN = 128
H1 = 71
H2 = 82
OUT = 1
LSTM_H = 32


def setup_inputs(seed: int = 0) -> dict:
    key = jax.random.key(seed)
    ks = jax.random.split(key, 16)
    x = jax.random.normal(ks[0], (N_NODES, D_IN), dtype=jnp.float32)
    edge_index = jax.random.randint(ks[1], (2, N_EDGES), 0, N_NODES, dtype=jnp.int64)
    W1 = jax.random.normal(ks[2], (D_IN, H1), dtype=jnp.float32) * 0.05
    b1 = jnp.zeros((H1,), dtype=jnp.float32)
    W2 = jax.random.normal(ks[3], (H1, H2), dtype=jnp.float32) * 0.05
    b2 = jnp.zeros((H2,), dtype=jnp.float32)
    W_ih = jax.random.normal(ks[4], (4 * LSTM_H, H2), dtype=jnp.float32) * 0.05
    W_hh = jax.random.normal(ks[5], (4 * LSTM_H, LSTM_H), dtype=jnp.float32) * 0.05
    b_ih = jnp.zeros((4 * LSTM_H,), dtype=jnp.float32)
    b_hh = jnp.zeros((4 * LSTM_H,), dtype=jnp.float32)
    Wfc = jax.random.normal(ks[6], (LSTM_H, OUT), dtype=jnp.float32) * 0.05
    bfc = jnp.zeros((OUT,), dtype=jnp.float32)
    return {"x": x, "edge_index": edge_index, "W1": W1, "b1": b1, "W2": W2, "b2": b2,
            "W_ih": W_ih, "W_hh": W_hh, "b_ih": b_ih, "b_hh": b_hh, "Wfc": Wfc, "bfc": bfc}


def gcn_conv(x, edge_index, W, b):
    # PyG GCNConv: linear transform, add self loops, sym-normalized scatter-add, bias
    N = x.shape[0]
    loop = jnp.arange(N, dtype=edge_index.dtype)
    src = jnp.concatenate([edge_index[0], loop])
    dst = jnp.concatenate([edge_index[1], loop])
    x_lin = x @ W
    deg = jnp.zeros((N,), dtype=x.dtype).at[dst].add(1.0)
    dinv = jnp.where(deg > 0, 1.0 / jnp.sqrt(deg), 0.0)
    norm = dinv[src] * dinv[dst]
    msg = norm[:, None] * jnp.take(x_lin, src, axis=0)
    out = jnp.zeros((N, W.shape[1]), dtype=x.dtype).at[dst].add(msg)
    return out + b


def lstm_last(seq, W_ih, W_hh, b_ih, b_hh):
    H = W_hh.shape[1]
    h0 = jnp.zeros((H,), dtype=seq.dtype)
    c0 = jnp.zeros((H,), dtype=seq.dtype)

    def step(carry, x_t):
        h, c = carry
        gates = x_t @ W_ih.T + h @ W_hh.T + b_ih + b_hh
        i = jax.nn.sigmoid(gates[0:H])
        f = jax.nn.sigmoid(gates[H:2 * H])
        g = jnp.tanh(gates[2 * H:3 * H])
        o = jax.nn.sigmoid(gates[3 * H:4 * H])
        c_new = f * c + i * g
        h_new = o * jnp.tanh(c_new)
        return (h_new, c_new), None

    (h_last, _), _ = jax.lax.scan(step, (h0, c0), seq)
    return h_last


def reference(x, edge_index, W1, b1, W2, b2, W_ih, W_hh, b_ih, b_hh, Wfc, bfc):
    h = jax.nn.relu(gcn_conv(x, edge_index, W1, b1))
    h = jax.nn.relu(gcn_conv(h, edge_index, W2, b2))
    # batch_first LSTM with batch=1: sequence over the N nodes, keep last hidden state
    h_last = lstm_last(h, W_ih, W_hh, b_ih, b_hh)
    out = h_last @ Wfc + bfc
    return out[None, :]  # [1, 1], matching torch output shape

if __name__ == "__main__":
    import jax
    _d = setup_inputs()
    print(jax.jit(kernel)(*tuple(_d.values())))

</pallas_src>

<mosaic_0001>
#map = affine_map<(d0, d1) -> (0, 0)>
#map1 = affine_map<(d0, d1) -> (0)>
#map2 = affine_map<(d0, d1) -> (0, 0, 0)>
module attributes {stable_mosaic.version = 14 : i64} {
  func.func @_sc_scatter(%arg0: i32, %arg1: i32, %arg2: memref<10000x128xf32, #tpu.memory_space<hbm>>, %arg3: memref<320000xi32, #tpu.memory_space<hbm>>, %arg4: memref<320000xi32, #tpu.memory_space<hbm>>, %arg5: memref<10001x128xf32, #tpu.memory_space<hbm>>, %arg6: memref<2x10000x128xf32, #tpu.memory_space<hbm>>, %arg7: memref<128xi32, #tpu.memory_space<vmem>>, %arg8: memref<128xi32, #tpu.memory_space<vmem>>, %arg9: memref<128xi32, #tpu.memory_space<vmem>>, %arg10: memref<128xi32, #tpu.memory_space<vmem>>, %arg11: memref<128x128xf32, #tpu.memory_space<vmem>>, %arg12: memref<128x128xf32, #tpu.memory_space<vmem>>, %arg13: memref<16xi32, #tpu.memory_space<vmem>>, %arg14: memref<16xi32, #tpu.memory_space<vmem>>, %arg15: memref<16x128xf32, #tpu.memory_space<vmem>>, %arg16: memref<10001x128xf32, #tpu.memory_space<vmem_shared>>, %arg17: memref<!tpu.dma_semaphore, #tpu.memory_space<semaphore_mem>>, %arg18: memref<!tpu.dma_semaphore, #tpu.memory_space<semaphore_mem>>, %arg19: memref<!tpu.dma_semaphore, #tpu.memory_space<semaphore_mem>>, %arg20: memref<!tpu.dma_semaphore, #tpu.memory_space<semaphore_mem>>, %arg21: memref<!tpu.dma_semaphore, #tpu.memory_space<semaphore_mem>>, %arg22: memref<!tpu.dma_semaphore, #tpu.memory_space<semaphore_mem>>) attributes {dimension_semantics = [#tpu.dimension_semantics<core_parallel>, #tpu.dimension_semantics<subcore_parallel>], iteration_bounds = array<i64: 2, 16>, scalar_prefetch = 0 : i64, scratch_operands = 16 : i64, tpu.core_type = #tpu.core_type<sc_vector_subcore>, window_params = [{transform_indices = #map}, {transform_indices = #map1}, {transform_indices = #map1}, {transform_indices = #map}, {transform_indices = #map2}]} {
    %mul3A = arith.constant 2 : i32
    %mul3A_0 = arith.muli %arg1, %mul3A : i32
    %add3A = arith.addi %mul3A_0, %arg0 : i32
    %mul3A_1 = arith.constant 624 : i32
    %mul3A_2 = arith.muli %arg1, %mul3A_1 : i32
    "tpu.region"() ({
      %run_scoped3A = tpu.sem_alloc : memref<!tpu.dma_semaphore, #tpu.memory_space<semaphore_mem>>
      %dma_start3A_26 = arith.constant 0 : i32
      %dma_start3A_27 = tpu.memref_slice %arg16[%mul3A_2, %dma_start3A_26] : memref<10001x128xf32, #tpu.memory_space<vmem_shared>> -> memref<624x128xf32, #tpu.memory_space<vmem_shared>>
      %dma_start3A_28 = arith.constant 0 : i32
      %dma_start3A_29 = tpu.memref_slice %arg5[%mul3A_2, %dma_start3A_28] : memref<10001x128xf32, #tpu.memory_space<hbm>> -> memref<624x128xf32, #tpu.memory_space<hbm>>
      tpu.enqueue_dma source(%dma_start3A_29 : memref<624x128xf32, #tpu.memory_space<hbm>>) target(%dma_start3A_27 : memref<624x128xf32, #tpu.memory_space<vmem_shared>>) target_semaphore(%run_scoped3A : memref<!tpu.dma_semaphore, #tpu.memory_space<semaphore_mem>>)
      %dma_wait3A_30 = arith.constant 0 : i32
      %dma_wait3A_31 = tpu.memref_slice %arg16[%mul3A_2, %dma_wait3A_30] : memref<10001x128xf32, #tpu.memory_space<vmem_shared>> -> memref<624x128xf32, #tpu.memory_space<vmem_shared>>
      %dma_wait3A_32 = arith.constant 0 : i32
      %dma_wait3A_33 = tpu.memref_slice %arg5[%mul3A_2, %dma_wait3A_32] : memref<10001x128xf32, #tpu.memory_space<hbm>> -> memref<624x128xf32, #tpu.memory_space<hbm>>
      tpu.wait_dma2 semaphore(%run_scoped3A : memref<!tpu.dma_semaphore, #tpu.memory_space<semaphore_mem>>) src(%dma_wait3A_33 : memref<624x128xf32, #tpu.memory_space<hbm>>) dst(%dma_wait3A_31 : memref<624x128xf32, #tpu.memory_space<vmem_shared>>)
      tpu.yield
    }) : () -> ()
    %eq3A = arith.constant 15 : i32
    %eq3A_3 = arith.cmpi eq, %arg1, %eq3A : i32
    %convert_element_type3A = arith.extui %eq3A_3 : i1 to i32
    %cond3A = arith.constant 0 : i32
    %cond3A_4 = arith.cmpi ne, %convert_element_type3A, %cond3A : i32
    scf.if %cond3A_4 {
      "tpu.region"() ({
        %run_scoped3A = tpu.sem_alloc : memref<!tpu.dma_semaphore, #tpu.memory_space<semaphore_mem>>
        %dma_start3A_26 = arith.constant 9984 : i32
        %dma_start3A_27 = arith.constant 0 : i32
        %dma_start3A_28 = tpu.memref_slice %arg16[%dma_start3A_26, %dma_start3A_27] : memref<10001x128xf32, #tpu.memory_space<vmem_shared>> -> memref<17x128xf32, #tpu.memory_space<vmem_shared>>
        %dma_start3A_29 = arith.constant 9984 : i32
        %dma_start3A_30 = arith.constant 0 : i32
        %dma_start3A_31 = tpu.memref_slice %arg5[%dma_start3A_29, %dma_start3A_30] : memref<10001x128xf32, #tpu.memory_space<hbm>> -> memref<17x128xf32, #tpu.memory_space<hbm>>
        tpu.enqueue_dma source(%dma_start3A_31 : memref<17x128xf32, #tpu.memory_space<hbm>>) target(%dma_start3A_28 : memref<17x128xf32, #tpu.memory_space<vmem_shared>>) target_semaphore(%run_scoped3A : memref<!tpu.dma_semaphore, #tpu.memory_space<semaphore_mem>>)
        %dma_wait3A_32 = arith.constant 9984 : i32
        %dma_wait3A_33 = arith.constant 0 : i32
        %dma_wait3A_34 = tpu.memref_slice %arg16[%dma_wait3A_32, %dma_wait3A_33] : memref<10001x128xf32, #tpu.memory_space<vmem_shared>> -> memref<17x128xf32, #tpu.memory_space<vmem_shared>>
        %dma_wait3A_35 = arith.constant 9984 : i32
        %dma_wait3A_36 = arith.constant 0 : i32
        %dma_wait3A_37 = tpu.memref_slice %arg5[%dma_wait3A_35, %dma_wait3A_36] : memref<10001x128xf32, #tpu.memory_space<hbm>> -> memref<17x128xf32, #tpu.memory_space<hbm>>
        tpu.wait_dma2 semaphore(%run_scoped3A : memref<!tpu.dma_semaphore, #tpu.memory_space<semaphore_mem>>) src(%dma_wait3A_37 : memref<17x128xf32, #tpu.memory_space<hbm>>) dst(%dma_wait3A_34 : memref<17x128xf32, #tpu.memory_space<vmem_shared>>)
        tpu.yield
      }) : () -> ()
    } else {
    }
    %barrier3A = arith.constant 0 : index
    tpu.barrier barrier_id(%barrier3A)
    %mul3A_5 = arith.constant 10000 : i32
    %mul3A_6 = arith.muli %add3A, %mul3A_5 : i32
    %scan3A = arith.constant 0 : i32
    %scan3A_7 = arith.constant 0 : i32
    %scan3A_8 = arith.constant 39 : i32
    %scan3A_9 = arith.addi %scan3A_7, %scan3A_8 : i32
    %scan3A_10 = arith.constant 1 : i32
    scf.for %scan3A_26 = %scan3A_7 to %scan3A_9 step %scan3A_10  : i32 {
      %mul3A_27 = arith.constant 2 : i32
      %mul3A_28 = arith.muli %mul3A_27, %scan3A_26 : i32
      %mul3A_29 = arith.constant 128 : i32
      %mul3A_30 = arith.muli %mul3A_28, %mul3A_29 : i32
      %add3A_31 = arith.addi %mul3A_6, %mul3A_30 : i32
      %dma_start3A_32 = tpu.memref_slice %arg3[%add3A_31] : memref<320000xi32, #tpu.memory_space<hbm>> -> memref<128xi32, #tpu.memory_space<hbm>>
      %dma_start3A_33 = tpu.memref_slice %arg3[%add3A_31] : memref<320000xi32, #tpu.memory_space<hbm>> -> memref<128xi32, #tpu.memory_space<hbm>>
      tpu.enqueue_dma source(%dma_start3A_33 : memref<128xi32, #tpu.memory_space<hbm>>) target(%arg7 : memref<128xi32, #tpu.memory_space<vmem>>) target_semaphore(%arg17 : memref<!tpu.dma_semaphore, #tpu.memory_space<semaphore_mem>>)
      %dma_start3A_34 = tpu.memref_slice %arg4[%add3A_31] : memref<320000xi32, #tpu.memory_space<hbm>> -> memref<128xi32, #tpu.memory_space<hbm>>
      %dma_start3A_35 = tpu.memref_slice %arg4[%add3A_31] : memref<320000xi32, #tpu.memory_space<hbm>> -> memref<128xi32, #tpu.memory_space<hbm>>
      tpu.enqueue_dma source(%dma_start3A_35 : memref<128xi32, #tpu.memory_space<hbm>>) target(%arg9 : memref<128xi32, #tpu.memory_space<vmem>>) target_semaphore(%arg18 : memref<!tpu.dma_semaphore, #tpu.memory_space<semaphore_mem>>)
      %add3A_36 = arith.constant 128 : i32
      %add3A_37 = arith.addi %add3A_31, %add3A_36 : i32
      %dma_start3A_38 = tpu.memref_slice %arg3[%add3A_37] : memref<320000xi32, #tpu.memory_space<hbm>> -> memref<128xi32, #tpu.memory_space<hbm>>
      %dma_start3A_39 = tpu.memref_slice %arg3[%add3A_37] : memref<320000xi32, #tpu.memory_space<hbm>> -> memref<128xi32, #tpu.memory_space<hbm>>
      tpu.enqueue_dma source(%dma_start3A_39 : memref<128xi32, #tpu.memory_space<hbm>>) target(%arg8 : memref<128xi32, #tpu.memory_space<vmem>>) target_semaphore(%arg19 : memref<!tpu.dma_semaphore, #tpu.memory_space<semaphore_mem>>)
      %add3A_40 = arith.constant 128 : i32
      %add3A_41 = arith.addi %add3A_31, %add3A_40 : i32
      %dma_start3A_42 = tpu.memref_slice %arg4[%add3A_41] : memref<320000xi32, #tpu.memory_space<hbm>> -> memref<128xi32, #tpu.memory_space<hbm>>
      %dma_start3A_43 = tpu.memref_slice %arg4[%add3A_41] : memref<320000xi32, #tpu.memory_space<hbm>> -> memref<128xi32, #tpu.memory_space<hbm>>
      tpu.enqueue_dma source(%dma_start3A_43 : memref<128xi32, #tpu.memory_space<hbm>>) target(%arg10 : memref<128xi32, #tpu.memory_space<vmem>>) target_semaphore(%arg20 : memref<!tpu.dma_semaphore, #tpu.memory_space<semaphore_mem>>)
      %dma_wait3A_44 = tpu.memref_slice %arg3[%add3A_31] : memref<320000xi32, #tpu.memory_space<hbm>> -> memref<128xi32, #tpu.memory_space<hbm>>
      %dma_wait3A_45 = tpu.memref_slice %arg3[%add3A_31] : memref<320000xi32, #tpu.memory_space<hbm>> -> memref<128xi32, #tpu.memory_space<hbm>>
      tpu.wait_dma2 semaphore(%arg17 : memref<!tpu.dma_semaphore, #tpu.memory_space<semaphore_mem>>) src(%dma_wait3A_45 : memref<128xi32, #tpu.memory_space<hbm>>) dst(%arg7 : memref<128xi32, #tpu.memory_space<vmem>>)
      %dma_start3A_46 = arith.constant 0 : i32
      %dma_start3A_47 = arith.constant 0 : i32
      %dma_start3A_48 = tpu.memref_slice %arg2[%dma_start3A_46, %dma_start3A_47] : memref<10000x128xf32, #tpu.memory_space<hbm>> -> memref<10000x128xf32, #tpu.memory_space<hbm>>
      tpu.enqueue_indirect_dma source(%dma_start3A_48 : memref<10000x128xf32, #tpu.memory_space<hbm>>) target(%arg11 : memref<128x128xf32, #tpu.memory_space<vmem>>) offsets(%arg7 : memref<128xi32, #tpu.memory_space<vmem>>) semaphore(%arg21 : memref<!tpu.dma_semaphore, #tpu.memory_space<semaphore_mem>>)
      %dma_wait3A_49 = tpu.memref_slice %arg3[%add3A_37] : memref<320000xi32, #tpu.memory_space<hbm>> -> memref<128xi32, #tpu.memory_space<hbm>>
      %dma_wait3A_50 = tpu.memref_slice %arg3[%add3A_37] : memref<320000xi32, #tpu.memory_space<hbm>> -> memref<128xi32, #tpu.memory_space<hbm>>
      tpu.wait_dma2 semaphore(%arg19 : memref<!tpu.dma_semaphore, #tpu.memory_space<semaphore_mem>>) src(%dma_wait3A_50 : memref<128xi32, #tpu.memory_space<hbm>>) dst(%arg8 : memref<128xi32, #tpu.memory_space<vmem>>)
      %dma_start3A_51 = arith.constant 0 : i32
      %dma_start3A_52 = arith.constant 0 : i32
      %dma_start3A_53 = tpu.memref_slice %arg2[%dma_start3A_51, %dma_start3A_52] : memref<10000x128xf32, #tpu.memory_space<hbm>> -> memref<10000x128xf32, #tpu.memory_space<hbm>>
      tpu.enqueue_indirect_dma source(%dma_start3A_53 : memref<10000x128xf32, #tpu.memory_space<hbm>>) target(%arg12 : memref<128x128xf32, #tpu.memory_space<vmem>>) offsets(%arg8 : memref<128xi32, #tpu.memory_space<vmem>>) semaphore(%arg22 : memref<!tpu.dma_semaphore, #tpu.memory_space<semaphore_mem>>)
      %dma_wait3A_54 = arith.constant 0 : i32
      %dma_wait3A_55 = arith.constant 0 : i32
      %dma_wait3A_56 = tpu.memref_slice %arg2[%dma_wait3A_54, %dma_wait3A_55] : memref<10000x128xf32, #tpu.memory_space<hbm>> -> memref<10000x128xf32, #tpu.memory_space<hbm>>
      tpu.wait_indirect_dma semaphore(%arg21 : memref<!tpu.dma_semaphore, #tpu.memory_space<semaphore_mem>>) src(%dma_wait3A_56 : memref<10000x128xf32, #tpu.memory_space<hbm>>) dst(%arg11 : memref<128x128xf32, #tpu.memory_space<vmem>>)
      %dma_wait3A_57 = tpu.memref_slice %arg4[%add3A_31] : memref<320000xi32, #tpu.memory_space<hbm>> -> memref<128xi32, #tpu.memory_space<hbm>>
      %dma_wait3A_58 = tpu.memref_slice %arg4[%add3A_31] : memref<320000xi32, #tpu.memory_space<hbm>> -> memref<128xi32, #tpu.memory_space<hbm>>
      tpu.wait_dma2 semaphore(%arg18 : memref<!tpu.dma_semaphore, #tpu.memory_space<semaphore_mem>>) src(%dma_wait3A_58 : memref<128xi32, #tpu.memory_space<hbm>>) dst(%arg9 : memref<128xi32, #tpu.memory_space<vmem>>)
      %dma_start3A_59 = arith.constant 0 : i32
      %dma_start3A_60 = arith.constant 0 : i32
      %dma_start3A_61 = tpu.memref_slice %arg16[%dma_start3A_59, %dma_start3A_60] : memref<10001x128xf32, #tpu.memory_space<vmem_shared>> -> memref<10001x128xf32, #tpu.memory_space<vmem_shared>>
      tpu.enqueue_indirect_dma source(%arg11 : memref<128x128xf32, #tpu.memory_space<vmem>>) target(%dma_start3A_61 : memref<10001x128xf32, #tpu.memory_space<vmem_shared>>) offsets(%arg9 : memref<128xi32, #tpu.memory_space<vmem>>) semaphore(%arg17 : memref<!tpu.dma_semaphore, #tpu.memory_space<semaphore_mem>>) {add = true}
      %dma_wait3A_62 = arith.constant 0 : i32
      %dma_wait3A_63 = arith.constant 0 : i32
      %dma_wait3A_64 = tpu.memref_slice %arg2[%dma_wait3A_62, %dma_wait3A_63] : memref<10000x128xf32, #tpu.memory_space<hbm>> -> memref<10000x128xf32, #tpu.memory_space<hbm>>
      tpu.wait_indirect_dma semaphore(%arg22 : memref<!tpu.dma_semaphore, #tpu.memory_space<semaphore_mem>>) src(%dma_wait3A_64 : memref<10000x128xf32, #tpu.memory_space<hbm>>) dst(%arg12 : memref<128x128xf32, #tpu.memory_space<vmem>>)
      %dma_wait3A_65 = tpu.memref_slice %arg4[%add3A_41] : memref<320000xi32, #tpu.memory_space<hbm>> -> memref<128xi32, #tpu.memory_space<hbm>>
      %dma_wait3A_66 = tpu.memref_slice %arg4[%add3A_41] : memref<320000xi32, #tpu.memory_space<hbm>> -> memref<128xi32, #tpu.memory_space<hbm>>
      tpu.wait_dma2 semaphore(%arg20 : memref<!tpu.dma_semaphore, #tpu.memory_space<semaphore_mem>>) src(%dma_wait3A_66 : memref<128xi32, #tpu.memory_space<hbm>>) dst(%arg10 : memref<128xi32, #tpu.memory_space<vmem>>)
      %dma_start3A_67 = arith.constant 0 : i32
      %dma_start3A_68 = arith.constant 0 : i32
      %dma_start3A_69 = tpu.memref_slice %arg16[%dma_start3A_67, %dma_start3A_68] : memref<10001x128xf32, #tpu.memory_space<vmem_shared>> -> memref<10001x128xf32, #tpu.memory_space<vmem_shared>>
      tpu.enqueue_indirect_dma source(%arg12 : memref<128x128xf32, #tpu.memory_space<vmem>>) target(%dma_start3A_69 : memref<10001x128xf32, #tpu.memory_space<vmem_shared>>) offsets(%arg10 : memref<128xi32, #tpu.memory_space<vmem>>) semaphore(%arg18 : memref<!tpu.dma_semaphore, #tpu.memory_space<semaphore_mem>>) {add = true}
      %dma_wait3A_70 = arith.constant 0 : i32
      %dma_wait3A_71 = arith.constant 0 : i32
      %dma_wait3A_72 = tpu.memref_slice %arg16[%dma_wait3A_70, %dma_wait3A_71] : memref<10001x128xf32, #tpu.memory_space<vmem_shared>> -> memref<10001x128xf32, #tpu.memory_space<vmem_shared>>
      tpu.wait_indirect_dma semaphore(%arg17 : memref<!tpu.dma_semaphore, #tpu.memory_space<semaphore_mem>>) src(%arg11 : memref<128x128xf32, #tpu.memory_space<vmem>>) dst(%dma_wait3A_72 : memref<10001x128xf32, #tpu.memory_space<vmem_shared>>)
      %dma_wait3A_73 = arith.constant 0 : i32
      %dma_wait3A_74 = arith.constant 0 : i32
      %dma_wait3A_75 = tpu.memref_slice %arg16[%dma_wait3A_73, %dma_wait3A_74] : memref<10001x128xf32, #tpu.memory_space<vmem_shared>> -> memref<10001x128xf32, #tpu.memory_space<vmem_shared>>
      tpu.wait_indirect_dma semaphore(%arg18 : memref<!tpu.dma_semaphore, #tpu.memory_space<semaphore_mem>>) src(%arg12 : memref<128x128xf32, #tpu.memory_space<vmem>>) dst(%dma_wait3A_75 : memref<10001x128xf32, #tpu.memory_space<vmem_shared>>)
    }
    %scan3A_11 = arith.constant 39 : i32
    %add3A_12 = arith.constant 9984 : i32
    %add3A_13 = arith.addi %mul3A_6, %add3A_12 : i32
    "tpu.region"() ({
      %run_scoped3A = tpu.sem_alloc : memref<!tpu.dma_semaphore, #tpu.memory_space<semaphore_mem>>
      %dma_start3A_26 = tpu.memref_slice %arg3[%add3A_13] : memref<320000xi32, #tpu.memory_space<hbm>> -> memref<16xi32, #tpu.memory_space<hbm>>
      %dma_start3A_27 = tpu.memref_slice %arg3[%add3A_13] : memref<320000xi32, #tpu.memory_space<hbm>> -> memref<16xi32, #tpu.memory_space<hbm>>
      tpu.enqueue_dma source(%dma_start3A_27 : memref<16xi32, #tpu.memory_space<hbm>>) target(%arg13 : memref<16xi32, #tpu.memory_space<vmem>>) target_semaphore(%run_scoped3A : memref<!tpu.dma_semaphore, #tpu.memory_space<semaphore_mem>>)
      %dma_wait3A_28 = tpu.memref_slice %arg3[%add3A_13] : memref<320000xi32, #tpu.memory_space<hbm>> -> memref<16xi32, #tpu.memory_space<hbm>>
      %dma_wait3A_29 = tpu.memref_slice %arg3[%add3A_13] : memref<320000xi32, #tpu.memory_space<hbm>> -> memref<16xi32, #tpu.memory_space<hbm>>
      tpu.wait_dma2 semaphore(%run_scoped3A : memref<!tpu.dma_semaphore, #tpu.memory_space<semaphore_mem>>) src(%dma_wait3A_29 : memref<16xi32, #tpu.memory_space<hbm>>) dst(%arg13 : memref<16xi32, #tpu.memory_space<vmem>>)
      tpu.yield
    }) : () -> ()
    "tpu.region"() ({
      %run_scoped3A = tpu.sem_alloc : memref<!tpu.dma_semaphore, #tpu.memory_space<semaphore_mem>>
      %dma_start3A_26 = tpu.memref_slice %arg4[%add3A_13] : memref<320000xi32, #tpu.memory_space<hbm>> -> memref<16xi32, #tpu.memory_space<hbm>>
      %dma_start3A_27 = tpu.memref_slice %arg4[%add3A_13] : memref<320000xi32, #tpu.memory_space<hbm>> -> memref<16xi32, #tpu.memory_space<hbm>>
      tpu.enqueue_dma source(%dma_start3A_27 : memref<16xi32, #tpu.memory_space<hbm>>) target(%arg14 : memref<16xi32, #tpu.memory_space<vmem>>) target_semaphore(%run_scoped3A : memref<!tpu.dma_semaphore, #tpu.memory_space<semaphore_mem>>)
      %dma_wait3A_28 = tpu.memref_slice %arg4[%add3A_13] : memref<320000xi32, #tpu.memory_space<hbm>> -> memref<16xi32, #tpu.memory_space<hbm>>
      %dma_wait3A_29 = tpu.memref_slice %arg4[%add3A_13] : memref<320000xi32, #tpu.memory_space<hbm>> -> memref<16xi32, #tpu.memory_space<hbm>>
      tpu.wait_dma2 semaphore(%run_scoped3A : memref<!tpu.dma_semaphore, #tpu.memory_space<semaphore_mem>>) src(%dma_wait3A_29 : memref<16xi32, #tpu.memory_space<hbm>>) dst(%arg14 : memref<16xi32, #tpu.memory_space<vmem>>)
      tpu.yield
    }) : () -> ()
    %dma_start3A = arith.constant 0 : i32
    %dma_start3A_14 = arith.constant 0 : i32
    %dma_start3A_15 = tpu.memref_slice %arg2[%dma_start3A, %dma_start3A_14] : memref<10000x128xf32, #tpu.memory_space<hbm>> -> memref<10000x128xf32, #tpu.memory_space<hbm>>
    tpu.enqueue_indirect_dma source(%dma_start3A_15 : memref<10000x128xf32, #tpu.memory_space<hbm>>) target(%arg15 : memref<16x128xf32, #tpu.memory_space<vmem>>) offsets(%arg13 : memref<16xi32, #tpu.memory_space<vmem>>) semaphore(%arg21 : memref<!tpu.dma_semaphore, #tpu.memory_space<semaphore_mem>>)
    %dma_wait3A = arith.constant 0 : i32
    %dma_wait3A_16 = arith.constant 0 : i32
    %dma_wait3A_17 = tpu.memref_slice %arg2[%dma_wait3A, %dma_wait3A_16] : memref<10000x128xf32, #tpu.memory_space<hbm>> -> memref<10000x128xf32, #tpu.memory_space<hbm>>
    tpu.wait_indirect_dma semaphore(%arg21 : memref<!tpu.dma_semaphore, #tpu.memory_space<semaphore_mem>>) src(%dma_wait3A_17 : memref<10000x128xf32, #tpu.memory_space<hbm>>) dst(%arg15 : memref<16x128xf32, #tpu.memory_space<vmem>>)
    "tpu.region"() ({
      %run_scoped3A = tpu.sem_alloc : memref<!tpu.dma_semaphore, #tpu.memory_space<semaphore_mem>>
      %dma_start3A_26 = arith.constant 0 : i32
      %dma_start3A_27 = arith.constant 0 : i32
      %dma_start3A_28 = tpu.memref_slice %arg16[%dma_start3A_26, %dma_start3A_27] : memref<10001x128xf32, #tpu.memory_space<vmem_shared>> -> memref<10001x128xf32, #tpu.memory_space<vmem_shared>>
      tpu.enqueue_indirect_dma source(%arg15 : memref<16x128xf32, #tpu.memory_space<vmem>>) target(%dma_start3A_28 : memref<10001x128xf32, #tpu.memory_space<vmem_shared>>) offsets(%arg14 : memref<16xi32, #tpu.memory_space<vmem>>) semaphore(%run_scoped3A : memref<!tpu.dma_semaphore, #tpu.memory_space<semaphore_mem>>) {add = true}
      %dma_wait3A_29 = arith.constant 0 : i32
      %dma_wait3A_30 = arith.constant 0 : i32
      %dma_wait3A_31 = tpu.memref_slice %arg16[%dma_wait3A_29, %dma_wait3A_30] : memref<10001x128xf32, #tpu.memory_space<vmem_shared>> -> memref<10001x128xf32, #tpu.memory_space<vmem_shared>>
      tpu.wait_indirect_dma semaphore(%run_scoped3A : memref<!tpu.dma_semaphore, #tpu.memory_space<semaphore_mem>>) src(%arg15 : memref<16x128xf32, #tpu.memory_space<vmem>>) dst(%dma_wait3A_31 : memref<10001x128xf32, #tpu.memory_space<vmem_shared>>)
      tpu.yield
    }) : () -> ()
    %barrier3A_18 = arith.constant 0 : index
    tpu.barrier barrier_id(%barrier3A_18)
    %mul3A_19 = arith.constant 624 : i32
    %mul3A_20 = arith.muli %arg1, %mul3A_19 : i32
    "tpu.region"() ({
      %run_scoped3A = tpu.sem_alloc : memref<!tpu.dma_semaphore, #tpu.memory_space<semaphore_mem>>
      %dma_start3A_26 = arith.constant 0 : i32
      %dma_start3A_27 = tpu.memref_slice %arg6[%arg0, %mul3A_20, %dma_start3A_26] : memref<2x10000x128xf32, #tpu.memory_space<hbm>> -> memref<1x624x128xf32, #tpu.memory_space<hbm>>
      %dma_start3A_28 = tpu.memref_squeeze %dma_start3A_27 : memref<1x624x128xf32, #tpu.memory_space<hbm>> -> memref<624x128xf32, #tpu.memory_space<hbm>>
      %dma_start3A_29 = arith.constant 0 : i32
      %dma_start3A_30 = tpu.memref_slice %arg16[%mul3A_20, %dma_start3A_29] : memref<10001x128xf32, #tpu.memory_space<vmem_shared>> -> memref<624x128xf32, #tpu.memory_space<vmem_shared>>
      tpu.enqueue_dma source(%dma_start3A_30 : memref<624x128xf32, #tpu.memory_space<vmem_shared>>) target(%dma_start3A_28 : memref<624x128xf32, #tpu.memory_space<hbm>>) target_semaphore(%run_scoped3A : memref<!tpu.dma_semaphore, #tpu.memory_space<semaphore_mem>>)
      %dma_wait3A_31 = arith.constant 0 : i32
      %dma_wait3A_32 = tpu.memref_slice %arg6[%arg0, %mul3A_20, %dma_wait3A_31] : memref<2x10000x128xf32, #tpu.memory_space<hbm>> -> memref<1x624x128xf32, #tpu.memory_space<hbm>>
      %dma_wait3A_33 = tpu.memref_squeeze %dma_wait3A_32 : memref<1x624x128xf32, #tpu.memory_space<hbm>> -> memref<624x128xf32, #tpu.memory_space<hbm>>
      %dma_wait3A_34 = arith.constant 0 : i32
      %dma_wait3A_35 = tpu.memref_slice %arg16[%mul3A_20, %dma_wait3A_34] : memref<10001x128xf32, #tpu.memory_space<vmem_shared>> -> memref<624x128xf32, #tpu.memory_space<vmem_shared>>
      tpu.wait_dma2 semaphore(%run_scoped3A : memref<!tpu.dma_semaphore, #tpu.memory_space<semaphore_mem>>) src(%dma_wait3A_35 : memref<624x128xf32, #tpu.memory_space<vmem_shared>>) dst(%dma_wait3A_33 : memref<624x128xf32, #tpu.memory_space<hbm>>)
      tpu.yield
    }) : () -> ()
    %eq3A_21 = arith.constant 15 : i32
    %eq3A_22 = arith.cmpi eq, %arg1, %eq3A_21 : i32
    %convert_element_type3A_23 = arith.extui %eq3A_22 : i1 to i32
    %cond3A_24 = arith.constant 0 : i32
    %cond3A_25 = arith.cmpi ne, %convert_element_type3A_23, %cond3A_24 : i32
    scf.if %cond3A_25 {
      "tpu.region"() ({
        %run_scoped3A = tpu.sem_alloc : memref<!tpu.dma_semaphore, #tpu.memory_space<semaphore_mem>>
        %dma_start3A_26 = arith.constant 9984 : i32
        %dma_start3A_27 = arith.constant 0 : i32
        %dma_start3A_28 = tpu.memref_slice %arg6[%arg0, %dma_start3A_26, %dma_start3A_27] : memref<2x10000x128xf32, #tpu.memory_space<hbm>> -> memref<1x16x128xf32, #tpu.memory_space<hbm>>
        %dma_start3A_29 = tpu.memref_squeeze %dma_start3A_28 : memref<1x16x128xf32, #tpu.memory_space<hbm>> -> memref<16x128xf32, #tpu.memory_space<hbm>>
        %dma_start3A_30 = arith.constant 9984 : i32
        %dma_start3A_31 = arith.constant 0 : i32
        %dma_start3A_32 = tpu.memref_slice %arg16[%dma_start3A_30, %dma_start3A_31] : memref<10001x128xf32, #tpu.memory_space<vmem_shared>> -> memref<16x128xf32, #tpu.memory_space<vmem_shared>>
        tpu.enqueue_dma source(%dma_start3A_32 : memref<16x128xf32, #tpu.memory_space<vmem_shared>>) target(%dma_start3A_29 : memref<16x128xf32, #tpu.memory_space<hbm>>) target_semaphore(%run_scoped3A : memref<!tpu.dma_semaphore, #tpu.memory_space<semaphore_mem>>)
        %dma_wait3A_33 = arith.constant 9984 : i32
        %dma_wait3A_34 = arith.constant 0 : i32
        %dma_wait3A_35 = tpu.memref_slice %arg6[%arg0, %dma_wait3A_33, %dma_wait3A_34] : memref<2x10000x128xf32, #tpu.memory_space<hbm>> -> memref<1x16x128xf32, #tpu.memory_space<hbm>>
        %dma_wait3A_36 = tpu.memref_squeeze %dma_wait3A_35 : memref<1x16x128xf32, #tpu.memory_space<hbm>> -> memref<16x128xf32, #tpu.memory_space<hbm>>
        %dma_wait3A_37 = arith.constant 9984 : i32
        %dma_wait3A_38 = arith.constant 0 : i32
        %dma_wait3A_39 = tpu.memref_slice %arg16[%dma_wait3A_37, %dma_wait3A_38] : memref<10001x128xf32, #tpu.memory_space<vmem_shared>> -> memref<16x128xf32, #tpu.memory_space<vmem_shared>>
        tpu.wait_dma2 semaphore(%run_scoped3A : memref<!tpu.dma_semaphore, #tpu.memory_space<semaphore_mem>>) src(%dma_wait3A_39 : memref<16x128xf32, #tpu.memory_space<vmem_shared>>) dst(%dma_wait3A_36 : memref<16x128xf32, #tpu.memory_space<hbm>>)
        tpu.yield
      }) : () -> ()
    } else {
    }
    return
  }
}

#map = affine_map<(d0, d1) -> (0)>
#map1 = affine_map<(d0, d1) -> (0, 0)>
#map2 = affine_map<(d0, d1) -> (0, 0, 0)>
module attributes {stable_mosaic.version = 14 : i64} {
  func.func @_sc_degree(%arg0: i32, %arg1: i32, %arg2: memref<320000xi32, #tpu.memory_space<hbm>>, %arg3: memref<128x128xf32, #tpu.memory_space<hbm>>, %arg4: memref<10001x128xf32, #tpu.memory_space<hbm>>, %arg5: memref<2x10000x128xf32, #tpu.memory_space<hbm>>, %arg6: memref<128xi32, #tpu.memory_space<vmem>>, %arg7: memref<128xi32, #tpu.memory_space<vmem>>, %arg8: memref<16xi32, #tpu.memory_space<vmem>>, %arg9: memref<128x128xf32, #tpu.memory_space<vmem>>, %arg10: memref<10001x128xf32, #tpu.memory_space<vmem_shared>>, %arg11: memref<!tpu.dma_semaphore, #tpu.memory_space<semaphore_mem>>, %arg12: memref<!tpu.dma_semaphore, #tpu.memory_space<semaphore_mem>>, %arg13: memref<!tpu.dma_semaphore, #tpu.memory_space<semaphore_mem>>, %arg14: memref<!tpu.dma_semaphore, #tpu.memory_space<semaphore_mem>>) attributes {dimension_semantics = [#tpu.dimension_semantics<core_parallel>, #tpu.dimension_semantics<subcore_parallel>], iteration_bounds = array<i64: 2, 16>, scalar_prefetch = 0 : i64, scratch_operands = 9 : i64, tpu.core_type = #tpu.core_type<sc_vector_subcore>, window_params = [{transform_indices = #map}, {transform_indices = #map1}, {transform_indices = #map1}, {transform_indices = #map2}]} {
    %mul3A = arith.constant 2 : i32
    %mul3A_0 = arith.muli %arg1, %mul3A : i32
    %add3A = arith.addi %mul3A_0, %arg0 : i32
    %mul3A_1 = arith.constant 624 : i32
    %mul3A_2 = arith.muli %arg1, %mul3A_1 : i32
    "tpu.region"() ({
      %run_scoped3A = tpu.sem_alloc : memref<!tpu.dma_semaphore, #tpu.memory_space<semaphore_mem>>
      %dma_start3A = arith.constant 0 : i32
      %dma_start3A_22 = tpu.memref_slice %arg10[%mul3A_2, %dma_start3A] : memref<10001x128xf32, #tpu.memory_space<vmem_shared>> -> memref<624x128xf32, #tpu.memory_space<vmem_shared>>
      %dma_start3A_23 = arith.constant 0 : i32
      %dma_start3A_24 = tpu.memref_slice %arg4[%mul3A_2, %dma_start3A_23] : memref<10001x128xf32, #tpu.memory_space<hbm>> -> memref<624x128xf32, #tpu.memory_space<hbm>>
      tpu.enqueue_dma source(%dma_start3A_24 : memref<624x128xf32, #tpu.memory_space<hbm>>) target(%dma_start3A_22 : memref<624x128xf32, #tpu.memory_space<vmem_shared>>) target_semaphore(%run_scoped3A : memref<!tpu.dma_semaphore, #tpu.memory_space<semaphore_mem>>)
      %dma_wait3A = arith.constant 0 : i32
      %dma_wait3A_25 = tpu.memref_slice %arg10[%mul3A_2, %dma_wait3A] : memref<10001x128xf32, #tpu.memory_space<vmem_shared>> -> memref<624x128xf32, #tpu.memory_space<vmem_shared>>
      %dma_wait3A_26 = arith.constant 0 : i32
      %dma_wait3A_27 = tpu.memref_slice %arg4[%mul3A_2, %dma_wait3A_26] : memref<10001x128xf32, #tpu.memory_space<hbm>> -> memref<624x128xf32, #tpu.memory_space<hbm>>
      tpu.wait_dma2 semaphore(%run_scoped3A : memref<!tpu.dma_semaphore, #tpu.memory_space<semaphore_mem>>) src(%dma_wait3A_27 : memref<624x128xf32, #tpu.memory_space<hbm>>) dst(%dma_wait3A_25 : memref<624x128xf32, #tpu.memory_space<vmem_shared>>)
      tpu.yield
    }) : () -> ()
    %eq3A = arith.constant 15 : i32
    %eq3A_3 = arith.cmpi eq, %arg1, %eq3A : i32
    %convert_element_type3A = arith.extui %eq3A_3 : i1 to i32
    %cond3A = arith.constant 0 : i32
    %cond3A_4 = arith.cmpi ne, %convert_element_type3A, %cond3A : i32
    scf.if %cond3A_4 {
      "tpu.region"() ({
        %run_scoped3A = tpu.sem_alloc : memref<!tpu.dma_semaphore, #tpu.memory_space<semaphore_mem>>
        %dma_start3A = arith.constant 9984 : i32
        %dma_start3A_22 = arith.constant 0 : i32
        %dma_start3A_23 = tpu.memref_slice %arg10[%dma_start3A, %dma_start3A_22] : memref<10001x128xf32, #tpu.memory_space<vmem_shared>> -> memref<17x128xf32, #tpu.memory_space<vmem_shared>>
        %dma_start3A_24 = arith.constant 9984 : i32
        %dma_start3A_25 = arith.constant 0 : i32
        %dma_start3A_26 = tpu.memref_slice %arg4[%dma_start3A_24, %dma_start3A_25] : memref<10001x128xf32, #tpu.memory_space<hbm>> -> memref<17x128xf32, #tpu.memory_space<hbm>>
        tpu.enqueue_dma source(%dma_start3A_26 : memref<17x128xf32, #tpu.memory_space<hbm>>) target(%dma_start3A_23 : memref<17x128xf32, #tpu.memory_space<vmem_shared>>) target_semaphore(%run_scoped3A : memref<!tpu.dma_semaphore, #tpu.memory_space<semaphore_mem>>)
        %dma_wait3A = arith.constant 9984 : i32
        %dma_wait3A_27 = arith.constant 0 : i32
        %dma_wait3A_28 = tpu.memref_slice %arg10[%dma_wait3A, %dma_wait3A_27] : memref<10001x128xf32, #tpu.memory_space<vmem_shared>> -> memref<17x128xf32, #tpu.memory_space<vmem_shared>>
        %dma_wait3A_29 = arith.constant 9984 : i32
        %dma_wait3A_30 = arith.constant 0 : i32
        %dma_wait3A_31 = tpu.memref_slice %arg4[%dma_wait3A_29, %dma_wait3A_30] : memref<10001x128xf32, #tpu.memory_space<hbm>> -> memref<17x128xf32, #tpu.memory_space<hbm>>
        tpu.wait_dma2 semaphore(%run_scoped3A : memref<!tpu.dma_semaphore, #tpu.memory_space<semaphore_mem>>) src(%dma_wait3A_31 : memref<17x128xf32, #tpu.memory_space<hbm>>) dst(%dma_wait3A_28 : memref<17x128xf32, #tpu.memory_space<vmem_shared>>)
        tpu.yield
      }) : () -> ()
    } else {
    }
    "tpu.region"() ({
      %run_scoped3A = tpu.sem_alloc : memref<!tpu.dma_semaphore, #tpu.memory_space<semaphore_mem>>
      tpu.enqueue_dma source(%arg3 : memref<128x128xf32, #tpu.memory_space<hbm>>) target(%arg9 : memref<128x128xf32, #tpu.memory_space<vmem>>) target_semaphore(%run_scoped3A : memref<!tpu.dma_semaphore, #tpu.memory_space<semaphore_mem>>)
      tpu.wait_dma2 semaphore(%run_scoped3A : memref<!tpu.dma_semaphore, #tpu.memory_space<semaphore_mem>>) src(%arg3 : memref<128x128xf32, #tpu.memory_space<hbm>>) dst(%arg9 : memref<128x128xf32, #tpu.memory_space<vmem>>)
      tpu.yield
    }) : () -> ()
    %barrier3A = arith.constant 0 : index
    tpu.barrier barrier_id(%barrier3A)
    %mul3A_5 = arith.constant 10000 : i32
    %mul3A_6 = arith.muli %add3A, %mul3A_5 : i32
    %scan3A = arith.constant 0 : i32
    %scan3A_7 = arith.constant 0 : i32
    %scan3A_8 = arith.constant 39 : i32
    %scan3A_9 = arith.addi %scan3A_7, %scan3A_8 : i32
    %scan3A_10 = arith.constant 1 : i32
    scf.for %scan3A_22 = %scan3A_7 to %scan3A_9 step %scan3A_10  : i32 {
      %mul3A_23 = arith.constant 2 : i32
      %mul3A_24 = arith.muli %mul3A_23, %scan3A_22 : i32
      %mul3A_25 = arith.constant 128 : i32
      %mul3A_26 = arith.muli %mul3A_24, %mul3A_25 : i32
      %add3A_27 = arith.addi %mul3A_6, %mul3A_26 : i32
      %dma_start3A = tpu.memref_slice %arg2[%add3A_27] : memref<320000xi32, #tpu.memory_space<hbm>> -> memref<128xi32, #tpu.memory_space<hbm>>
      %dma_start3A_28 = tpu.memref_slice %arg2[%add3A_27] : memref<320000xi32, #tpu.memory_space<hbm>> -> memref<128xi32, #tpu.memory_space<hbm>>
      tpu.enqueue_dma source(%dma_start3A_28 : memref<128xi32, #tpu.memory_space<hbm>>) target(%arg6 : memref<128xi32, #tpu.memory_space<vmem>>) target_semaphore(%arg11 : memref<!tpu.dma_semaphore, #tpu.memory_space<semaphore_mem>>)
      %add3A_29 = arith.constant 128 : i32
      %add3A_30 = arith.addi %add3A_27, %add3A_29 : i32
      %dma_start3A_31 = tpu.memref_slice %arg2[%add3A_30] : memref<320000xi32, #tpu.memory_space<hbm>> -> memref<128xi32, #tpu.memory_space<hbm>>
      %dma_start3A_32 = tpu.memref_slice %arg2[%add3A_30] : memref<320000xi32, #tpu.memory_space<hbm>> -> memref<128xi32, #tpu.memory_space<hbm>>
      tpu.enqueue_dma source(%dma_start3A_32 : memref<128xi32, #tpu.memory_space<hbm>>) target(%arg7 : memref<128xi32, #tpu.memory_space<vmem>>) target_semaphore(%arg12 : memref<!tpu.dma_semaphore, #tpu.memory_space<semaphore_mem>>)
      %dma_wait3A = tpu.memref_slice %arg2[%add3A_27] : memref<320000xi32, #tpu.memory_space<hbm>> -> memref<128xi32, #tpu.memory_space<hbm>>
      %dma_wait3A_33 = tpu.memref_slice %arg2[%add3A_27] : memref<320000xi32, #tpu.memory_space<hbm>> -> memref<128xi32, #tpu.memory_space<hbm>>
      tpu.wait_dma2 semaphore(%arg11 : memref<!tpu.dma_semaphore, #tpu.memory_space<semaphore_mem>>) src(%dma_wait3A_33 : memref<128xi32, #tpu.memory_space<hbm>>) dst(%arg6 : memref<128xi32, #tpu.memory_space<vmem>>)
      %dma_start3A_34 = arith.constant 0 : i32
      %dma_start3A_35 = arith.constant 0 : i32
      %dma_start3A_36 = tpu.memref_slice %arg10[%dma_start3A_34, %dma_start3A_35] : memref<10001x128xf32, #tpu.memory_space<vmem_shared>> -> memref<10001x128xf32, #tpu.memory_space<vmem_shared>>
      tpu.enqueue_indirect_dma source(%arg9 : memref<128x128xf32, #tpu.memory_space<vmem>>) target(%dma_start3A_36 : memref<10001x128xf32, #tpu.memory_space<vmem_shared>>) offsets(%arg6 : memref<128xi32, #tpu.memory_space<vmem>>) semaphore(%arg13 : memref<!tpu.dma_semaphore, #tpu.memory_space<semaphore_mem>>) {add = true}
      %dma_wait3A_37 = tpu.memref_slice %arg2[%add3A_30] : memref<320000xi32, #tpu.memory_space<hbm>> -> memref<128xi32, #tpu.memory_space<hbm>>
      %dma_wait3A_38 = tpu.memref_slice %arg2[%add3A_30] : memref<320000xi32, #tpu.memory_space<hbm>> -> memref<128xi32, #tpu.memory_space<hbm>>
      tpu.wait_dma2 semaphore(%arg12 : memref<!tpu.dma_semaphore, #tpu.memory_space<semaphore_mem>>) src(%dma_wait3A_38 : memref<128xi32, #tpu.memory_space<hbm>>) dst(%arg7 : memref<128xi32, #tpu.memory_space<vmem>>)
      %dma_start3A_39 = arith.constant 0 : i32
      %dma_start3A_40 = arith.constant 0 : i32
      %dma_start3A_41 = tpu.memref_slice %arg10[%dma_start3A_39, %dma_start3A_40] : memref<10001x128xf32, #tpu.memory_space<vmem_shared>> -> memref<10001x128xf32, #tpu.memory_space<vmem_shared>>
      tpu.enqueue_indirect_dma source(%arg9 : memref<128x128xf32, #tpu.memory_space<vmem>>) target(%dma_start3A_41 : memref<10001x128xf32, #tpu.memory_space<vmem_shared>>) offsets(%arg7 : memref<128xi32, #tpu.memory_space<vmem>>) semaphore(%arg14 : memref<!tpu.dma_semaphore, #tpu.memory_space<semaphore_mem>>) {add = true}
      %dma_wait3A_42 = arith.constant 0 : i32
      %dma_wait3A_43 = arith.constant 0 : i32
      %dma_wait3A_44 = tpu.memref_slice %arg10[%dma_wait3A_42, %dma_wait3A_43] : memref<10001x128xf32, #tpu.memory_space<vmem_shared>> -> memref<10001x128xf32, #tpu.memory_space<vmem_shared>>
      tpu.wait_indirect_dma semaphore(%arg13 : memref<!tpu.dma_semaphore, #tpu.memory_space<semaphore_mem>>) src(%arg9 : memref<128x128xf32, #tpu.memory_space<vmem>>) dst(%dma_wait3A_44 : memref<10001x128xf32, #tpu.memory_space<vmem_shared>>)
      %dma_wait3A_45 = arith.constant 0 : i32
      %dma_wait3A_46 = arith.constant 0 : i32
      %dma_wait3A_47 = tpu.memref_slice %arg10[%dma_wait3A_45, %dma_wait3A_46] : memref<10001x128xf32, #tpu.memory_space<vmem_shared>> -> memref<10001x128xf32, #tpu.memory_space<vmem_shared>>
      tpu.wait_indirect_dma semaphore(%arg14 : memref<!tpu.dma_semaphore, #tpu.memory_space<semaphore_mem>>) src(%arg9 : memref<128x128xf32, #tpu.memory_space<vmem>>) dst(%dma_wait3A_47 : memref<10001x128xf32, #tpu.memory_space<vmem_shared>>)
    }
    %scan3A_11 = arith.constant 39 : i32
    %add3A_12 = arith.constant 9984 : i32
    %add3A_13 = arith.addi %mul3A_6, %add3A_12 : i32
    "tpu.region"() ({
      %run_scoped3A = tpu.sem_alloc : memref<!tpu.dma_semaphore, #tpu.memory_space<semaphore_mem>>
      %dma_start3A = tpu.memref_slice %arg2[%add3A_13] : memref<320000xi32, #tpu.memory_space<hbm>> -> memref<16xi32, #tpu.memory_space<hbm>>
      %dma_start3A_22 = tpu.memref_slice %arg2[%add3A_13] : memref<320000xi32, #tpu.memory_space<hbm>> -> memref<16xi32, #tpu.memory_space<hbm>>
      tpu.enqueue_dma source(%dma_start3A_22 : memref<16xi32, #tpu.memory_space<hbm>>) target(%arg8 : memref<16xi32, #tpu.memory_space<vmem>>) target_semaphore(%run_scoped3A : memref<!tpu.dma_semaphore, #tpu.memory_space<semaphore_mem>>)
      %dma_wait3A = tpu.memref_slice %arg2[%add3A_13] : memref<320000xi32, #tpu.memory_space<hbm>> -> memref<16xi32, #tpu.memory_space<hbm>>
      %dma_wait3A_23 = tpu.memref_slice %arg2[%add3A_13] : memref<320000xi32, #tpu.memory_space<hbm>> -> memref<16xi32, #tpu.memory_space<hbm>>
      tpu.wait_dma2 semaphore(%run_scoped3A : memref<!tpu.dma_semaphore, #tpu.memory_space<semaphore_mem>>) src(%dma_wait3A_23 : memref<16xi32, #tpu.memory_space<hbm>>) dst(%arg8 : memref<16xi32, #tpu.memory_space<vmem>>)
      tpu.yield
    }) : () -> ()
    "tpu.region"() ({
      %run_scoped3A = tpu.sem_alloc : memref<!tpu.dma_semaphore, #tpu.memory_space<semaphore_mem>>
      %dma_start3A = arith.constant 0 : i32
      %dma_start3A_22 = arith.constant 0 : i32
      %dma_start3A_23 = tpu.memref_slice %arg9[%dma_start3A, %dma_start3A_22] : memref<128x128xf32, #tpu.memory_space<vmem>> -> memref<16x128xf32, #tpu.memory_space<vmem>>
      %dma_start3A_24 = arith.constant 0 : i32
      %dma_start3A_25 = arith.constant 0 : i32
      %dma_start3A_26 = tpu.memref_slice %arg10[%dma_start3A_24, %dma_start3A_25] : memref<10001x128xf32, #tpu.memory_space<vmem_shared>> -> memref<10001x128xf32, #tpu.memory_space<vmem_shared>>
      tpu.enqueue_indirect_dma source(%dma_start3A_23 : memref<16x128xf32, #tpu.memory_space<vmem>>) target(%dma_start3A_26 : memref<10001x128xf32, #tpu.memory_space<vmem_shared>>) offsets(%arg8 : memref<16xi32, #tpu.memory_space<vmem>>) semaphore(%run_scoped3A : memref<!tpu.dma_semaphore, #tpu.memory_space<semaphore_mem>>) {add = true}
      %dma_wait3A = arith.constant 0 : i32
      %dma_wait3A_27 = arith.constant 0 : i32
      %dma_wait3A_28 = tpu.memref_slice %arg9[%dma_wait3A, %dma_wait3A_27] : memref<128x128xf32, #tpu.memory_space<vmem>> -> memref<16x128xf32, #tpu.memory_space<vmem>>
      %dma_wait3A_29 = arith.constant 0 : i32
      %dma_wait3A_30 = arith.constant 0 : i32
      %dma_wait3A_31 = tpu.memref_slice %arg10[%dma_wait3A_29, %dma_wait3A_30] : memref<10001x128xf32, #tpu.memory_space<vmem_shared>> -> memref<10001x128xf32, #tpu.memory_space<vmem_shared>>
      tpu.wait_indirect_dma semaphore(%run_scoped3A : memref<!tpu.dma_semaphore, #tpu.memory_space<semaphore_mem>>) src(%dma_wait3A_28 : memref<16x128xf32, #tpu.memory_space<vmem>>) dst(%dma_wait3A_31 : memref<10001x128xf32, #tpu.memory_space<vmem_shared>>)
      tpu.yield
    }) : () -> ()
    %barrier3A_14 = arith.constant 0 : index
    tpu.barrier barrier_id(%barrier3A_14)
    %mul3A_15 = arith.constant 624 : i32
    %mul3A_16 = arith.muli %arg1, %mul3A_15 : i32
    "tpu.region"() ({
      %run_scoped3A = tpu.sem_alloc : memref<!tpu.dma_semaphore, #tpu.memory_space<semaphore_mem>>
      %dma_start3A = arith.constant 0 : i32
      %dma_start3A_22 = tpu.memref_slice %arg5[%arg0, %mul3A_16, %dma_start3A] : memref<2x10000x128xf32, #tpu.memory_space<hbm>> -> memref<1x624x128xf32, #tpu.memory_space<hbm>>
      %dma_start3A_23 = tpu.memref_squeeze %dma_start3A_22 : memref<1x624x128xf32, #tpu.memory_space<hbm>> -> memref<624x128xf32, #tpu.memory_space<hbm>>
      %dma_start3A_24 = arith.constant 0 : i32
      %dma_start3A_25 = tpu.memref_slice %arg10[%mul3A_16, %dma_start3A_24] : memref<10001x128xf32, #tpu.memory_space<vmem_shared>> -> memref<624x128xf32, #tpu.memory_space<vmem_shared>>
      tpu.enqueue_dma source(%dma_start3A_25 : memref<624x128xf32, #tpu.memory_space<vmem_shared>>) target(%dma_start3A_23 : memref<624x128xf32, #tpu.memory_space<hbm>>) target_semaphore(%run_scoped3A : memref<!tpu.dma_semaphore, #tpu.memory_space<semaphore_mem>>)
      %dma_wait3A = arith.constant 0 : i32
      %dma_wait3A_26 = tpu.memref_slice %arg5[%arg0, %mul3A_16, %dma_wait3A] : memref<2x10000x128xf32, #tpu.memory_space<hbm>> -> memref<1x624x128xf32, #tpu.memory_space<hbm>>
      %dma_wait3A_27 = tpu.memref_squeeze %dma_wait3A_26 : memref<1x624x128xf32, #tpu.memory_space<hbm>> -> memref<624x128xf32, #tpu.memory_space<hbm>>
      %dma_wait3A_28 = arith.constant 0 : i32
      %dma_wait3A_29 = tpu.memref_slice %arg10[%mul3A_16, %dma_wait3A_28] : memref<10001x128xf32, #tpu.memory_space<vmem_shared>> -> memref<624x128xf32, #tpu.memory_space<vmem_shared>>
      tpu.wait_dma2 semaphore(%run_scoped3A : memref<!tpu.dma_semaphore, #tpu.memory_space<semaphore_mem>>) src(%dma_wait3A_29 : memref<624x128xf32, #tpu.memory_space<vmem_shared>>) dst(%dma_wait3A_27 : memref<624x128xf32, #tpu.memory_space<hbm>>)
      tpu.yield
    }) : () -> ()
    %eq3A_17 = arith.constant 15 : i32
    %eq3A_18 = arith.cmpi eq, %arg1, %eq3A_17 : i32
    %convert_element_type3A_19 = arith.extui %eq3A_18 : i1 to i32
    %cond3A_20 = arith.constant 0 : i32
    %cond3A_21 = arith.cmpi ne, %convert_element_type3A_19, %cond3A_20 : i32
    scf.if %cond3A_21 {
      "tpu.region"() ({
        %run_scoped3A = tpu.sem_alloc : memref<!tpu.dma_semaphore, #tpu.memory_space<semaphore_mem>>
        %dma_start3A = arith.constant 9984 : i32
        %dma_start3A_22 = arith.constant 0 : i32
        %dma_start3A_23 = tpu.memref_slice %arg5[%arg0, %dma_start3A, %dma_start3A_22] : memref<2x10000x128xf32, #tpu.memory_space<hbm>> -> memref<1x16x128xf32, #tpu.memory_space<hbm>>
        %dma_start3A_24 = tpu.memref_squeeze %dma_start3A_23 : memref<1x16x128xf32, #tpu.memory_space<hbm>> -> memref<16x128xf32, #tpu.memory_space<hbm>>
        %dma_start3A_25 = arith.constant 9984 : i32
        %dma_start3A_26 = arith.constant 0 : i32
        %dma_start3A_27 = tpu.memref_slice %arg10[%dma_start3A_25, %dma_start3A_26] : memref<10001x128xf32, #tpu.memory_space<vmem_shared>> -> memref<16x128xf32, #tpu.memory_space<vmem_shared>>
        tpu.enqueue_dma source(%dma_start3A_27 : memref<16x128xf32, #tpu.memory_space<vmem_shared>>) target(%dma_start3A_24 : memref<16x128xf32, #tpu.memory_space<hbm>>) target_semaphore(%run_scoped3A : memref<!tpu.dma_semaphore, #tpu.memory_space<semaphore_mem>>)
        %dma_wait3A = arith.constant 9984 : i32
        %dma_wait3A_28 = arith.constant 0 : i32
        %dma_wait3A_29 = tpu.memref_slice %arg5[%arg0, %dma_wait3A, %dma_wait3A_28] : memref<2x10000x128xf32, #tpu.memory_space<hbm>> -> memref<1x16x128xf32, #tpu.memory_space<hbm>>
        %dma_wait3A_30 = tpu.memref_squeeze %dma_wait3A_29 : memref<1x16x128xf32, #tpu.memory_space<hbm>> -> memref<16x128xf32, #tpu.memory_space<hbm>>
        %dma_wait3A_31 = arith.constant 9984 : i32
        %dma_wait3A_32 = arith.constant 0 : i32
        %dma_wait3A_33 = tpu.memref_slice %arg10[%dma_wait3A_31, %dma_wait3A_32] : memref<10001x128xf32, #tpu.memory_space<vmem_shared>> -> memref<16x128xf32, #tpu.memory_space<vmem_shared>>
        tpu.wait_dma2 semaphore(%run_scoped3A : memref<!tpu.dma_semaphore, #tpu.memory_space<semaphore_mem>>) src(%dma_wait3A_33 : memref<16x128xf32, #tpu.memory_space<vmem_shared>>) dst(%dma_wait3A_30 : memref<16x128xf32, #tpu.memory_space<hbm>>)
        tpu.yield
      }) : () -> ()
    } else {
    }
    return
  }
}

#map = affine_map<(d0, d1) -> (0, 0)>
#map1 = affine_map<(d0, d1) -> (0)>
#map2 = affine_map<(d0, d1) -> (0, 0, 0)>
module attributes {stable_mosaic.version = 14 : i64} {
  func.func @_sc_scatter(%arg0: i32, %arg1: i32, %arg2: memref<10000x128xf32, #tpu.memory_space<hbm>>, %arg3: memref<320000xi32, #tpu.memory_space<hbm>>, %arg4: memref<320000xi32, #tpu.memory_space<hbm>>, %arg5: memref<10001x128xf32, #tpu.memory_space<hbm>>, %arg6: memref<2x10000x128xf32, #tpu.memory_space<hbm>>, %arg7: memref<128xi32, #tpu.memory_space<vmem>>, %arg8: memref<128xi32, #tpu.memory_space<vmem>>, %arg9: memref<128xi32, #tpu.memory_space<vmem>>, %arg10: memref<128xi32, #tpu.memory_space<vmem>>, %arg11: memref<128x128xf32, #tpu.memory_space<vmem>>, %arg12: memref<128x128xf32, #tpu.memory_space<vmem>>, %arg13: memref<16xi32, #tpu.memory_space<vmem>>, %arg14: memref<16xi32, #tpu.memory_space<vmem>>, %arg15: memref<16x128xf32, #tpu.memory_space<vmem>>, %arg16: memref<10001x128xf32, #tpu.memory_space<vmem_shared>>, %arg17: memref<!tpu.dma_semaphore, #tpu.memory_space<semaphore_mem>>, %arg18: memref<!tpu.dma_semaphore, #tpu.memory_space<semaphore_mem>>, %arg19: memref<!tpu.dma_semaphore, #tpu.memory_space<semaphore_mem>>, %arg20: memref<!tpu.dma_semaphore, #tpu.memory_space<semaphore_mem>>, %arg21: memref<!tpu.dma_semaphore, #tpu.memory_space<semaphore_mem>>, %arg22: memref<!tpu.dma_semaphore, #tpu.memory_space<semaphore_mem>>) attributes {dimension_semantics = [#tpu.dimension_semantics<core_parallel>, #tpu.dimension_semantics<subcore_parallel>], iteration_bounds = array<i64: 2, 16>, scalar_prefetch = 0 : i64, scratch_operands = 16 : i64, tpu.core_type = #tpu.core_type<sc_vector_subcore>, window_params = [{transform_indices = #map}, {transform_indices = #map1}, {transform_indices = #map1}, {transform_indices = #map}, {transform_indices = #map2}]} {
    %mul3A = arith.constant 2 : i32
    %mul3A_0 = arith.muli %arg1, %mul3A : i32
    %add3A = arith.addi %mul3A_0, %arg0 : i32
    %mul3A_1 = arith.constant 624 : i32
    %mul3A_2 = arith.muli %arg1, %mul3A_1 : i32
    "tpu.region"() ({
      %run_scoped3A = tpu.sem_alloc : memref<!tpu.dma_semaphore, #tpu.memory_space<semaphore_mem>>
      %dma_start3A_26 = arith.constant 0 : i32
      %dma_start3A_27 = tpu.memref_slice %arg16[%mul3A_2, %dma_start3A_26] : memref<10001x128xf32, #tpu.memory_space<vmem_shared>> -> memref<624x128xf32, #tpu.memory_space<vmem_shared>>
      %dma_start3A_28 = arith.constant 0 : i32
      %dma_start3A_29 = tpu.memref_slice %arg5[%mul3A_2, %dma_start3A_28] : memref<10001x128xf32, #tpu.memory_space<hbm>> -> memref<624x128xf32, #tpu.memory_space<hbm>>
      tpu.enqueue_dma source(%dma_start3A_29 : memref<624x128xf32, #tpu.memory_space<hbm>>) target(%dma_start3A_27 : memref<624x128xf32, #tpu.memory_space<vmem_shared>>) target_semaphore(%run_scoped3A : memref<!tpu.dma_semaphore, #tpu.memory_space<semaphore_mem>>)
      %dma_wait3A_30 = arith.constant 0 : i32
      %dma_wait3A_31 = tpu.memref_slice %arg16[%mul3A_2, %dma_wait3A_30] : memref<10001x128xf32, #tpu.memory_space<vmem_shared>> -> memref<624x128xf32, #tpu.memory_space<vmem_shared>>
      %dma_wait3A_32 = arith.constant 0 : i32
      %dma_wait3A_33 = tpu.memref_slice %arg5[%mul3A_2, %dma_wait3A_32] : memref<10001x128xf32, #tpu.memory_space<hbm>> -> memref<624x128xf32, #tpu.memory_space<hbm>>
      tpu.wait_dma2 semaphore(%run_scoped3A : memref<!tpu.dma_semaphore, #tpu.memory_space<semaphore_mem>>) src(%dma_wait3A_33 : memref<624x128xf32, #tpu.memory_space<hbm>>) dst(%dma_wait3A_31 : memref<624x128xf32, #tpu.memory_space<vmem_shared>>)
      tpu.yield
    }) : () -> ()
    %eq3A = arith.constant 15 : i32
    %eq3A_3 = arith.cmpi eq, %arg1, %eq3A : i32
    %convert_element_type3A = arith.extui %eq3A_3 : i1 to i32
    %cond3A = arith.constant 0 : i32
    %cond3A_4 = arith.cmpi ne, %convert_element_type3A, %cond3A : i32
    scf.if %cond3A_4 {
      "tpu.region"() ({
        %run_scoped3A = tpu.sem_alloc : memref<!tpu.dma_semaphore, #tpu.memory_space<semaphore_mem>>
        %dma_start3A_26 = arith.constant 9984 : i32
        %dma_start3A_27 = arith.constant 0 : i32
        %dma_start3A_28 = tpu.memref_slice %arg16[%dma_start3A_26, %dma_start3A_27] : memref<10001x128xf32, #tpu.memory_space<vmem_shared>> -> memref<17x128xf32, #tpu.memory_space<vmem_shared>>
        %dma_start3A_29 = arith.constant 9984 : i32
        %dma_start3A_30 = arith.constant 0 : i32
        %dma_start3A_31 = tpu.memref_slice %arg5[%dma_start3A_29, %dma_start3A_30] : memref<10001x128xf32, #tpu.memory_space<hbm>> -> memref<17x128xf32, #tpu.memory_space<hbm>>
        tpu.enqueue_dma source(%dma_start3A_31 : memref<17x128xf32, #tpu.memory_space<hbm>>) target(%dma_start3A_28 : memref<17x128xf32, #tpu.memory_space<vmem_shared>>) target_semaphore(%run_scoped3A : memref<!tpu.dma_semaphore, #tpu.memory_space<semaphore_mem>>)
        %dma_wait3A_32 = arith.constant 9984 : i32
        %dma_wait3A_33 = arith.constant 0 : i32
        %dma_wait3A_34 = tpu.memref_slice %arg16[%dma_wait3A_32, %dma_wait3A_33] : memref<10001x128xf32, #tpu.memory_space<vmem_shared>> -> memref<17x128xf32, #tpu.memory_space<vmem_shared>>
        %dma_wait3A_35 = arith.constant 9984 : i32
        %dma_wait3A_36 = arith.constant 0 : i32
        %dma_wait3A_37 = tpu.memref_slice %arg5[%dma_wait3A_35, %dma_wait3A_36] : memref<10001x128xf32, #tpu.memory_space<hbm>> -> memref<17x128xf32, #tpu.memory_space<hbm>>
        tpu.wait_dma2 semaphore(%run_scoped3A : memref<!tpu.dma_semaphore, #tpu.memory_space<semaphore_mem>>) src(%dma_wait3A_37 : memref<17x128xf32, #tpu.memory_space<hbm>>) dst(%dma_wait3A_34 : memref<17x128xf32, #tpu.memory_space<vmem_shared>>)
        tpu.yield
      }) : () -> ()
    } else {
    }
    %barrier3A = arith.constant 0 : index
    tpu.barrier barrier_id(%barrier3A)
    %mul3A_5 = arith.constant 10000 : i32
    %mul3A_6 = arith.muli %add3A, %mul3A_5 : i32
    %scan3A = arith.constant 0 : i32
    %scan3A_7 = arith.constant 0 : i32
    %scan3A_8 = arith.constant 39 : i32
    %scan3A_9 = arith.addi %scan3A_7, %scan3A_8 : i32
    %scan3A_10 = arith.constant 1 : i32
    scf.for %scan3A_26 = %scan3A_7 to %scan3A_9 step %scan3A_10  : i32 {
      %mul3A_27 = arith.constant 2 : i32
      %mul3A_28 = arith.muli %mul3A_27, %scan3A_26 : i32
      %mul3A_29 = arith.constant 128 : i32
      %mul3A_30 = arith.muli %mul3A_28, %mul3A_29 : i32
      %add3A_31 = arith.addi %mul3A_6, %mul3A_30 : i32
      %dma_start3A_32 = tpu.memref_slice %arg3[%add3A_31] : memref<320000xi32, #tpu.memory_space<hbm>> -> memref<128xi32, #tpu.memory_space<hbm>>
      %dma_start3A_33 = tpu.memref_slice %arg3[%add3A_31] : memref<320000xi32, #tpu.memory_space<hbm>> -> memref<128xi32, #tpu.memory_space<hbm>>
      tpu.enqueue_dma source(%dma_start3A_33 : memref<128xi32, #tpu.memory_space<hbm>>) target(%arg7 : memref<128xi32, #tpu.memory_space<vmem>>) target_semaphore(%arg17 : memref<!tpu.dma_semaphore, #tpu.memory_space<semaphore_mem>>)
      %dma_start3A_34 = tpu.memref_slice %arg4[%add3A_31] : memref<320000xi32, #tpu.memory_space<hbm>> -> memref<128xi32, #tpu.memory_space<hbm>>
      %dma_start3A_35 = tpu.memref_slice %arg4[%add3A_31] : memref<320000xi32, #tpu.memory_space<hbm>> -> memref<128xi32, #tpu.memory_space<hbm>>
      tpu.enqueue_dma source(%dma_start3A_35 : memref<128xi32, #tpu.memory_space<hbm>>) target(%arg9 : memref<128xi32, #tpu.memory_space<vmem>>) target_semaphore(%arg18 : memref<!tpu.dma_semaphore, #tpu.memory_space<semaphore_mem>>)
      %add3A_36 = arith.constant 128 : i32
      %add3A_37 = arith.addi %add3A_31, %add3A_36 : i32
      %dma_start3A_38 = tpu.memref_slice %arg3[%add3A_37] : memref<320000xi32, #tpu.memory_space<hbm>> -> memref<128xi32, #tpu.memory_space<hbm>>
      %dma_start3A_39 = tpu.memref_slice %arg3[%add3A_37] : memref<320000xi32, #tpu.memory_space<hbm>> -> memref<128xi32, #tpu.memory_space<hbm>>
      tpu.enqueue_dma source(%dma_start3A_39 : memref<128xi32, #tpu.memory_space<hbm>>) target(%arg8 : memref<128xi32, #tpu.memory_space<vmem>>) target_semaphore(%arg19 : memref<!tpu.dma_semaphore, #tpu.memory_space<semaphore_mem>>)
      %add3A_40 = arith.constant 128 : i32
      %add3A_41 = arith.addi %add3A_31, %add3A_40 : i32
      %dma_start3A_42 = tpu.memref_slice %arg4[%add3A_41] : memref<320000xi32, #tpu.memory_space<hbm>> -> memref<128xi32, #tpu.memory_space<hbm>>
      %dma_start3A_43 = tpu.memref_slice %arg4[%add3A_41] : memref<320000xi32, #tpu.memory_space<hbm>> -> memref<128xi32, #tpu.memory_space<hbm>>
      tpu.enqueue_dma source(%dma_start3A_43 : memref<128xi32, #tpu.memory_space<hbm>>) target(%arg10 : memref<128xi32, #tpu.memory_space<vmem>>) target_semaphore(%arg20 : memref<!tpu.dma_semaphore, #tpu.memory_space<semaphore_mem>>)
      %dma_wait3A_44 = tpu.memref_slice %arg3[%add3A_31] : memref<320000xi32, #tpu.memory_space<hbm>> -> memref<128xi32, #tpu.memory_space<hbm>>
      %dma_wait3A_45 = tpu.memref_slice %arg3[%add3A_31] : memref<320000xi32, #tpu.memory_space<hbm>> -> memref<128xi32, #tpu.memory_space<hbm>>
      tpu.wait_dma2 semaphore(%arg17 : memref<!tpu.dma_semaphore, #tpu.memory_space<semaphore_mem>>) src(%dma_wait3A_45 : memref<128xi32, #tpu.memory_space<hbm>>) dst(%arg7 : memref<128xi32, #tpu.memory_space<vmem>>)
      %dma_start3A_46 = arith.constant 0 : i32
      %dma_start3A_47 = arith.constant 0 : i32
      %dma_start3A_48 = tpu.memref_slice %arg2[%dma_start3A_46, %dma_start3A_47] : memref<10000x128xf32, #tpu.memory_space<hbm>> -> memref<10000x128xf32, #tpu.memory_space<hbm>>
      tpu.enqueue_indirect_dma source(%dma_start3A_48 : memref<10000x128xf32, #tpu.memory_space<hbm>>) target(%arg11 : memref<128x128xf32, #tpu.memory_space<vmem>>) offsets(%arg7 : memref<128xi32, #tpu.memory_space<vmem>>) semaphore(%arg21 : memref<!tpu.dma_semaphore, #tpu.memory_space<semaphore_mem>>)
      %dma_wait3A_49 = tpu.memref_slice %arg3[%add3A_37] : memref<320000xi32, #tpu.memory_space<hbm>> -> memref<128xi32, #tpu.memory_space<hbm>>
      %dma_wait3A_50 = tpu.memref_slice %arg3[%add3A_37] : memref<320000xi32, #tpu.memory_space<hbm>> -> memref<128xi32, #tpu.memory_space<hbm>>
      tpu.wait_dma2 semaphore(%arg19 : memref<!tpu.dma_semaphore, #tpu.memory_space<semaphore_mem>>) src(%dma_wait3A_50 : memref<128xi32, #tpu.memory_space<hbm>>) dst(%arg8 : memref<128xi32, #tpu.memory_space<vmem>>)
      %dma_start3A_51 = arith.constant 0 : i32
      %dma_start3A_52 = arith.constant 0 : i32
      %dma_start3A_53 = tpu.memref_slice %arg2[%dma_start3A_51, %dma_start3A_52] : memref<10000x128xf32, #tpu.memory_space<hbm>> -> memref<10000x128xf32, #tpu.memory_space<hbm>>
      tpu.enqueue_indirect_dma source(%dma_start3A_53 : memref<10000x128xf32, #tpu.memory_space<hbm>>) target(%arg12 : memref<128x128xf32, #tpu.memory_space<vmem>>) offsets(%arg8 : memref<128xi32, #tpu.memory_space<vmem>>) semaphore(%arg22 : memref<!tpu.dma_semaphore, #tpu.memory_space<semaphore_mem>>)
      %dma_wait3A_54 = arith.constant 0 : i32
      %dma_wait3A_55 = arith.constant 0 : i32
      %dma_wait3A_56 = tpu.memref_slice %arg2[%dma_wait3A_54, %dma_wait3A_55] : memref<10000x128xf32, #tpu.memory_space<hbm>> -> memref<10000x128xf32, #tpu.memory_space<hbm>>
      tpu.wait_indirect_dma semaphore(%arg21 : memref<!tpu.dma_semaphore, #tpu.memory_space<semaphore_mem>>) src(%dma_wait3A_56 : memref<10000x128xf32, #tpu.memory_space<hbm>>) dst(%arg11 : memref<128x128xf32, #tpu.memory_space<vmem>>)
      %dma_wait3A_57 = tpu.memref_slice %arg4[%add3A_31] : memref<320000xi32, #tpu.memory_space<hbm>> -> memref<128xi32, #tpu.memory_space<hbm>>
      %dma_wait3A_58 = tpu.memref_slice %arg4[%add3A_31] : memref<320000xi32, #tpu.memory_space<hbm>> -> memref<128xi32, #tpu.memory_space<hbm>>
      tpu.wait_dma2 semaphore(%arg18 : memref<!tpu.dma_semaphore, #tpu.memory_space<semaphore_mem>>) src(%dma_wait3A_58 : memref<128xi32, #tpu.memory_space<hbm>>) dst(%arg9 : memref<128xi32, #tpu.memory_space<vmem>>)
      %dma_start3A_59 = arith.constant 0 : i32
      %dma_start3A_60 = arith.constant 0 : i32
      %dma_start3A_61 = tpu.memref_slice %arg16[%dma_start3A_59, %dma_start3A_60] : memref<10001x128xf32, #tpu.memory_space<vmem_shared>> -> memref<10001x128xf32, #tpu.memory_space<vmem_shared>>
      tpu.enqueue_indirect_dma source(%arg11 : memref<128x128xf32, #tpu.memory_space<vmem>>) target(%dma_start3A_61 : memref<10001x128xf32, #tpu.memory_space<vmem_shared>>) offsets(%arg9 : memref<128xi32, #tpu.memory_space<vmem>>) semaphore(%arg17 : memref<!tpu.dma_semaphore, #tpu.memory_space<semaphore_mem>>) {add = true}
      %dma_wait3A_62 = arith.constant 0 : i32
      %dma_wait3A_63 = arith.constant 0 : i32
      %dma_wait3A_64 = tpu.memref_slice %arg2[%dma_wait3A_62, %dma_wait3A_63] : memref<10000x128xf32, #tpu.memory_space<hbm>> -> memref<10000x128xf32, #tpu.memory_space<hbm>>
      tpu.wait_indirect_dma semaphore(%arg22 : memref<!tpu.dma_semaphore, #tpu.memory_space<semaphore_mem>>) src(%dma_wait3A_64 : memref<10000x128xf32, #tpu.memory_space<hbm>>) dst(%arg12 : memref<128x128xf32, #tpu.memory_space<vmem>>)
      %dma_wait3A_65 = tpu.memref_slice %arg4[%add3A_41] : memref<320000xi32, #tpu.memory_space<hbm>> -> memref<128xi32, #tpu.memory_space<hbm>>
      %dma_wait3A_66 = tpu.memref_slice %arg4[%add3A_41] : memref<320000xi32, #tpu.memory_space<hbm>> -> memref<128xi32, #tpu.memory_space<hbm>>
      tpu.wait_dma2 semaphore(%arg20 : memref<!tpu.dma_semaphore, #tpu.memory_space<semaphore_mem>>) src(%dma_wait3A_66 : memref<128xi32, #tpu.memory_space<hbm>>) dst(%arg10 : memref<128xi32, #tpu.memory_space<vmem>>)
      %dma_start3A_67 = arith.constant 0 : i32
      %dma_start3A_68 = arith.constant 0 : i32
      %dma_start3A_69 = tpu.memref_slice %arg16[%dma_start3A_67, %dma_start3A_68] : memref<10001x128xf32, #tpu.memory_space<vmem_shared>> -> memref<10001x128xf32, #tpu.memory_space<vmem_shared>>
      tpu.enqueue_indirect_dma source(%arg12 : memref<128x128xf32, #tpu.memory_space<vmem>>) target(%dma_start3A_69 : memref<10001x128xf32, #tpu.memory_space<vmem_shared>>) offsets(%arg10 : memref<128xi32, #tpu.memory_space<vmem>>) semaphore(%arg18 : memref<!tpu.dma_semaphore, #tpu.memory_space<semaphore_mem>>) {add = true}
      %dma_wait3A_70 = arith.constant 0 : i32
      %dma_wait3A_71 = arith.constant 0 : i32
      %dma_wait3A_72 = tpu.memref_slice %arg16[%dma_wait3A_70, %dma_wait3A_71] : memref<10001x128xf32, #tpu.memory_space<vmem_shared>> -> memref<10001x128xf32, #tpu.memory_space<vmem_shared>>
      tpu.wait_indirect_dma semaphore(%arg17 : memref<!tpu.dma_semaphore, #tpu.memory_space<semaphore_mem>>) src(%arg11 : memref<128x128xf32, #tpu.memory_space<vmem>>) dst(%dma_wait3A_72 : memref<10001x128xf32, #tpu.memory_space<vmem_shared>>)
      %dma_wait3A_73 = arith.constant 0 : i32
      %dma_wait3A_74 = arith.constant 0 : i32
      %dma_wait3A_75 = tpu.memref_slice %arg16[%dma_wait3A_73, %dma_wait3A_74] : memref<10001x128xf32, #tpu.memory_space<vmem_shared>> -> memref<10001x128xf32, #tpu.memory_space<vmem_shared>>
      tpu.wait_indirect_dma semaphore(%arg18 : memref<!tpu.dma_semaphore, #tpu.memory_space<semaphore_mem>>) src(%arg12 : memref<128x128xf32, #tpu.memory_space<vmem>>) dst(%dma_wait3A_75 : memref<10001x128xf32, #tpu.memory_space<vmem_shared>>)
    }
    %scan3A_11 = arith.constant 39 : i32
    %add3A_12 = arith.constant 9984 : i32
    %add3A_13 = arith.addi %mul3A_6, %add3A_12 : i32
    "tpu.region"() ({
      %run_scoped3A = tpu.sem_alloc : memref<!tpu.dma_semaphore, #tpu.memory_space<semaphore_mem>>
      %dma_start3A_26 = tpu.memref_slice %arg3[%add3A_13] : memref<320000xi32, #tpu.memory_space<hbm>> -> memref<16xi32, #tpu.memory_space<hbm>>
      %dma_start3A_27 = tpu.memref_slice %arg3[%add3A_13] : memref<320000xi32, #tpu.memory_space<hbm>> -> memref<16xi32, #tpu.memory_space<hbm>>
      tpu.enqueue_dma source(%dma_start3A_27 : memref<16xi32, #tpu.memory_space<hbm>>) target(%arg13 : memref<16xi32, #tpu.memory_space<vmem>>) target_semaphore(%run_scoped3A : memref<!tpu.dma_semaphore, #tpu.memory_space<semaphore_mem>>)
      %dma_wait3A_28 = tpu.memref_slice %arg3[%add3A_13] : memref<320000xi32, #tpu.memory_space<hbm>> -> memref<16xi32, #tpu.memory_space<hbm>>
      %dma_wait3A_29 = tpu.memref_slice %arg3[%add3A_13] : memref<320000xi32, #tpu.memory_space<hbm>> -> memref<16xi32, #tpu.memory_space<hbm>>
      tpu.wait_dma2 semaphore(%run_scoped3A : memref<!tpu.dma_semaphore, #tpu.memory_space<semaphore_mem>>) src(%dma_wait3A_29 : memref<16xi32, #tpu.memory_space<hbm>>) dst(%arg13 : memref<16xi32, #tpu.memory_space<vmem>>)
      tpu.yield
    }) : () -> ()
    "tpu.region"() ({
      %run_scoped3A = tpu.sem_alloc : memref<!tpu.dma_semaphore, #tpu.memory_space<semaphore_mem>>
      %dma_start3A_26 = tpu.memref_slice %arg4[%add3A_13] : memref<320000xi32, #tpu.memory_space<hbm>> -> memref<16xi32, #tpu.memory_space<hbm>>
      %dma_start3A_27 = tpu.memref_slice %arg4[%add3A_13] : memref<320000xi32, #tpu.memory_space<hbm>> -> memref<16xi32, #tpu.memory_space<hbm>>
      tpu.enqueue_dma source(%dma_start3A_27 : memref<16xi32, #tpu.memory_space<hbm>>) target(%arg14 : memref<16xi32, #tpu.memory_space<vmem>>) target_semaphore(%run_scoped3A : memref<!tpu.dma_semaphore, #tpu.memory_space<semaphore_mem>>)
      %dma_wait3A_28 = tpu.memref_slice %arg4[%add3A_13] : memref<320000xi32, #tpu.memory_space<hbm>> -> memref<16xi32, #tpu.memory_space<hbm>>
      %dma_wait3A_29 = tpu.memref_slice %arg4[%add3A_13] : memref<320000xi32, #tpu.memory_space<hbm>> -> memref<16xi32, #tpu.memory_space<hbm>>
      tpu.wait_dma2 semaphore(%run_scoped3A : memref<!tpu.dma_semaphore, #tpu.memory_space<semaphore_mem>>) src(%dma_wait3A_29 : memref<16xi32, #tpu.memory_space<hbm>>) dst(%arg14 : memref<16xi32, #tpu.memory_space<vmem>>)
      tpu.yield
    }) : () -> ()
    %dma_start3A = arith.constant 0 : i32
    %dma_start3A_14 = arith.constant 0 : i32
    %dma_start3A_15 = tpu.memref_slice %arg2[%dma_start3A, %dma_start3A_14] : memref<10000x128xf32, #tpu.memory_space<hbm>> -> memref<10000x128xf32, #tpu.memory_space<hbm>>
    tpu.enqueue_indirect_dma source(%dma_start3A_15 : memref<10000x128xf32, #tpu.memory_space<hbm>>) target(%arg15 : memref<16x128xf32, #tpu.memory_space<vmem>>) offsets(%arg13 : memref<16xi32, #tpu.memory_space<vmem>>) semaphore(%arg21 : memref<!tpu.dma_semaphore, #tpu.memory_space<semaphore_mem>>)
    %dma_wait3A = arith.constant 0 : i32
    %dma_wait3A_16 = arith.constant 0 : i32
    %dma_wait3A_17 = tpu.memref_slice %arg2[%dma_wait3A, %dma_wait3A_16] : memref<10000x128xf32, #tpu.memory_space<hbm>> -> memref<10000x128xf32, #tpu.memory_space<hbm>>
    tpu.wait_indirect_dma semaphore(%arg21 : memref<!tpu.dma_semaphore, #tpu.memory_space<semaphore_mem>>) src(%dma_wait3A_17 : memref<10000x128xf32, #tpu.memory_space<hbm>>) dst(%arg15 : memref<16x128xf32, #tpu.memory_space<vmem>>)
    "tpu.region"() ({
      %run_scoped3A = tpu.sem_alloc : memref<!tpu.dma_semaphore, #tpu.memory_space<semaphore_mem>>
      %dma_start3A_26 = arith.constant 0 : i32
      %dma_start3A_27 = arith.constant 0 : i32
      %dma_start3A_28 = tpu.memref_slice %arg16[%dma_start3A_26, %dma_start3A_27] : memref<10001x128xf32, #tpu.memory_space<vmem_shared>> -> memref<10001x128xf32, #tpu.memory_space<vmem_shared>>
      tpu.enqueue_indirect_dma source(%arg15 : memref<16x128xf32, #tpu.memory_space<vmem>>) target(%dma_start3A_28 : memref<10001x128xf32, #tpu.memory_space<vmem_shared>>) offsets(%arg14 : memref<16xi32, #tpu.memory_space<vmem>>) semaphore(%run_scoped3A : memref<!tpu.dma_semaphore, #tpu.memory_space<semaphore_mem>>) {add = true}
      %dma_wait3A_29 = arith.constant 0 : i32
      %dma_wait3A_30 = arith.constant 0 : i32
      %dma_wait3A_31 = tpu.memref_slice %arg16[%dma_wait3A_29, %dma_wait3A_30] : memref<10001x128xf32, #tpu.memory_space<vmem_shared>> -> memref<10001x128xf32, #tpu.memory_space<vmem_shared>>
      tpu.wait_indirect_dma semaphore(%run_scoped3A : memref<!tpu.dma_semaphore, #tpu.memory_space<semaphore_mem>>) src(%arg15 : memref<16x128xf32, #tpu.memory_space<vmem>>) dst(%dma_wait3A_31 : memref<10001x128xf32, #tpu.memory_space<vmem_shared>>)
      tpu.yield
    }) : () -> ()
    %barrier3A_18 = arith.constant 0 : index
    tpu.barrier barrier_id(%barrier3A_18)
    %mul3A_19 = arith.constant 624 : i32
    %mul3A_20 = arith.muli %arg1, %mul3A_19 : i32
    "tpu.region"() ({
      %run_scoped3A = tpu.sem_alloc : memref<!tpu.dma_semaphore, #tpu.memory_space<semaphore_mem>>
      %dma_start3A_26 = arith.constant 0 : i32
      %dma_start3A_27 = tpu.memref_slice %arg6[%arg0, %mul3A_20, %dma_start3A_26] : memref<2x10000x128xf32, #tpu.memory_space<hbm>> -> memref<1x624x128xf32, #tpu.memory_space<hbm>>
      %dma_start3A_28 = tpu.memref_squeeze %dma_start3A_27 : memref<1x624x128xf32, #tpu.memory_space<hbm>> -> memref<624x128xf32, #tpu.memory_space<hbm>>
      %dma_start3A_29 = arith.constant 0 : i32
      %dma_start3A_30 = tpu.memref_slice %arg16[%mul3A_20, %dma_start3A_29] : memref<10001x128xf32, #tpu.memory_space<vmem_shared>> -> memref<624x128xf32, #tpu.memory_space<vmem_shared>>
      tpu.enqueue_dma source(%dma_start3A_30 : memref<624x128xf32, #tpu.memory_space<vmem_shared>>) target(%dma_start3A_28 : memref<624x128xf32, #tpu.memory_space<hbm>>) target_semaphore(%run_scoped3A : memref<!tpu.dma_semaphore, #tpu.memory_space<semaphore_mem>>)
      %dma_wait3A_31 = arith.constant 0 : i32
      %dma_wait3A_32 = tpu.memref_slice %arg6[%arg0, %mul3A_20, %dma_wait3A_31] : memref<2x10000x128xf32, #tpu.memory_space<hbm>> -> memref<1x624x128xf32, #tpu.memory_space<hbm>>
      %dma_wait3A_33 = tpu.memref_squeeze %dma_wait3A_32 : memref<1x624x128xf32, #tpu.memory_space<hbm>> -> memref<624x128xf32, #tpu.memory_space<hbm>>
      %dma_wait3A_34 = arith.constant 0 : i32
      %dma_wait3A_35 = tpu.memref_slice %arg16[%mul3A_20, %dma_wait3A_34] : memref<10001x128xf32, #tpu.memory_space<vmem_shared>> -> memref<624x128xf32, #tpu.memory_space<vmem_shared>>
      tpu.wait_dma2 semaphore(%run_scoped3A : memref<!tpu.dma_semaphore, #tpu.memory_space<semaphore_mem>>) src(%dma_wait3A_35 : memref<624x128xf32, #tpu.memory_space<vmem_shared>>) dst(%dma_wait3A_33 : memref<624x128xf32, #tpu.memory_space<hbm>>)
      tpu.yield
    }) : () -> ()
    %eq3A_21 = arith.constant 15 : i32
    %eq3A_22 = arith.cmpi eq, %arg1, %eq3A_21 : i32
    %convert_element_type3A_23 = arith.extui %eq3A_22 : i1 to i32
    %cond3A_24 = arith.constant 0 : i32
    %cond3A_25 = arith.cmpi ne, %convert_element_type3A_23, %cond3A_24 : i32
    scf.if %cond3A_25 {
      "tpu.region"() ({
        %run_scoped3A = tpu.sem_alloc : memref<!tpu.dma_semaphore, #tpu.memory_space<semaphore_mem>>
        %dma_start3A_26 = arith.constant 9984 : i32
        %dma_start3A_27 = arith.constant 0 : i32
        %dma_start3A_28 = tpu.memref_slice %arg6[%arg0, %dma_start3A_26, %dma_start3A_27] : memref<2x10000x128xf32, #tpu.memory_space<hbm>> -> memref<1x16x128xf32, #tpu.memory_space<hbm>>
        %dma_start3A_29 = tpu.memref_squeeze %dma_start3A_28 : memref<1x16x128xf32, #tpu.memory_space<hbm>> -> memref<16x128xf32, #tpu.memory_space<hbm>>
        %dma_start3A_30 = arith.constant 9984 : i32
        %dma_start3A_31 = arith.constant 0 : i32
        %dma_start3A_32 = tpu.memref_slice %arg16[%dma_start3A_30, %dma_start3A_31] : memref<10001x128xf32, #tpu.memory_space<vmem_shared>> -> memref<16x128xf32, #tpu.memory_space<vmem_shared>>
        tpu.enqueue_dma source(%dma_start3A_32 : memref<16x128xf32, #tpu.memory_space<vmem_shared>>) target(%dma_start3A_29 : memref<16x128xf32, #tpu.memory_space<hbm>>) target_semaphore(%run_scoped3A : memref<!tpu.dma_semaphore, #tpu.memory_space<semaphore_mem>>)
        %dma_wait3A_33 = arith.constant 9984 : i32
        %dma_wait3A_34 = arith.constant 0 : i32
        %dma_wait3A_35 = tpu.memref_slice %arg6[%arg0, %dma_wait3A_33, %dma_wait3A_34] : memref<2x10000x128xf32, #tpu.memory_space<hbm>> -> memref<1x16x128xf32, #tpu.memory_space<hbm>>
        %dma_wait3A_36 = tpu.memref_squeeze %dma_wait3A_35 : memref<1x16x128xf32, #tpu.memory_space<hbm>> -> memref<16x128xf32, #tpu.memory_space<hbm>>
        %dma_wait3A_37 = arith.constant 9984 : i32
        %dma_wait3A_38 = arith.constant 0 : i32
        %dma_wait3A_39 = tpu.memref_slice %arg16[%dma_wait3A_37, %dma_wait3A_38] : memref<10001x128xf32, #tpu.memory_space<vmem_shared>> -> memref<16x128xf32, #tpu.memory_space<vmem_shared>>
        tpu.wait_dma2 semaphore(%run_scoped3A : memref<!tpu.dma_semaphore, #tpu.memory_space<semaphore_mem>>) src(%dma_wait3A_39 : memref<16x128xf32, #tpu.memory_space<vmem_shared>>) dst(%dma_wait3A_36 : memref<16x128xf32, #tpu.memory_space<hbm>>)
        tpu.yield
      }) : () -> ()
    } else {
    }
    return
  }
}

module attributes {stable_mosaic.version = 14 : i64} {
  func.func @_k1_body(%arg0: i32, %arg1: memref<2000x128xf32, #tpu.memory_space<vmem>>, %arg2: memref<128x128xf32, #tpu.memory_space<vmem>>, %arg3: memref<2000x128xf32, #tpu.memory_space<vmem>>, %arg4: memref<2000x128xf32, #tpu.memory_space<vmem>>, %arg5: memref<2000x128xf32, #tpu.memory_space<vmem>>, %arg6: memref<2000x128xf32, #tpu.memory_space<vmem>>, %arg7: memref<2000x1xf32, #tpu.memory_space<vmem>>) attributes {dimension_semantics = [#tpu.dimension_semantics<arbitrary>], iteration_bounds = array<i64: 5>, scalar_prefetch = 0 : i64, scratch_operands = 0 : i64, tpu.core_type = #tpu.core_type<tc>, window_params = [{transform_indices = @transform_0, window_bounds = array<i64: 2000, 128>}, {pipeline_mode = #tpu.pipeline_mode<synchronous>, transform_indices = @transform_1, window_bounds = array<i64: 128, 128>}, {transform_indices = @transform_2, window_bounds = array<i64: 2000, 128>}, {transform_indices = @transform_3, window_bounds = array<i64: 2000, 128>}, {transform_indices = @transform_4, window_bounds = array<i64: 2000, 128>}, {transform_indices = @transform_5, window_bounds = array<i64: 2000, 128>}, {transform_indices = @transform_6, window_bounds = array<i64: 2000, 1>}]} {
    %get3A = arith.constant 0 : index
    %get3A_0 = arith.constant 0 : index
    %get3A_1 = vector.load %arg3[%get3A, %get3A_0] : memref<2000x128xf32, #tpu.memory_space<vmem>>, vector<2000x1xf32>
    %get3A_2 = arith.constant 0 : index
    %get3A_3 = arith.constant 0 : index
    %get3A_4 = vector.load %arg4[%get3A_2, %get3A_3] : memref<2000x128xf32, #tpu.memory_space<vmem>>, vector<2000x1xf32>
    %add3A = arith.addf %get3A_1, %get3A_4 : vector<2000x1xf32>
    %add3A_5 = arith.constant 1.000000e+00 : f32
    %add3A_6 = vector.broadcast %add3A_5 : f32 to vector<2000x1xf32>
    %add3A_7 = arith.addf %add3A, %add3A_6 : vector<2000x1xf32>
    %rsqrt3A = math.rsqrt %add3A_7 : vector<2000x1xf32>
    %get3A_8 = arith.constant 0 : index
    %get3A_9 = arith.constant 0 : index
    %get3A_10 = vector.load %arg1[%get3A_8, %get3A_9] : memref<2000x128xf32, #tpu.memory_space<vmem>>, vector<2000x128xf32>
    %get3A_11 = arith.constant 0 : index
    %get3A_12 = arith.constant 0 : index
    %get3A_13 = vector.load %arg2[%get3A_11, %get3A_12] : memref<128x128xf32, #tpu.memory_space<vmem>>, vector<128x128xf32>
    %dot_general3A = arith.constant dense<0.000000e+00> : vector<2000x128xf32>
    %dot_general3A_14 = tpu.matmul %get3A_10, %get3A_13, %dot_general3A {dimension_numbers = #tpu.dot_dimension_numbers<[1], [0], [0], [1], [0, 0, 1, 1], [], []>, transpose_lhs_hint = false} : vector<2000x128xf32>, vector<128x128xf32>, vector<2000x128xf32> -> vector<2000x128xf32>
    %swap3A = arith.constant 0 : index
    %swap3A_15 = arith.constant 0 : index
    %swap3A_16 = vector.load %arg5[%swap3A, %swap3A_15] : memref<2000x128xf32, #tpu.memory_space<vmem>>, vector<2000x128xf32>
    tpu.vector_store %arg5[%swap3A, %swap3A_15], %dot_general3A_14 {strides = array<i32>} : memref<2000x128xf32, #tpu.memory_space<vmem>>, vector<2000x128xf32>,
    %mul3A = vector.broadcast %rsqrt3A : vector<2000x1xf32> to vector<2000x128xf32>
    %mul3A_17 = arith.mulf %dot_general3A_14, %mul3A : vector<2000x128xf32>
    %swap3A_18 = arith.constant 0 : index
    %swap3A_19 = arith.constant 0 : index
    %swap3A_20 = vector.load %arg6[%swap3A_18, %swap3A_19] : memref<2000x128xf32, #tpu.memory_space<vmem>>, vector<2000x128xf32>
    tpu.vector_store %arg6[%swap3A_18, %swap3A_19], %mul3A_17 {strides = array<i32>} : memref<2000x128xf32, #tpu.memory_space<vmem>>, vector<2000x128xf32>,
    %swap3A_21 = arith.constant 0 : index
    %swap3A_22 = arith.constant 0 : index
    %swap3A_23 = vector.load %arg7[%swap3A_21, %swap3A_22] : memref<2000x1xf32, #tpu.memory_space<vmem>>, vector<2000x1xf32>
    tpu.vector_store %arg7[%swap3A_21, %swap3A_22], %rsqrt3A {strides = array<i32>} : memref<2000x1xf32, #tpu.memory_space<vmem>>, vector<2000x1xf32>,
    return
  }
  func.func @transform_0(%arg0: i32) -> (i32, i32) {
    %c0_i32 = arith.constant 0 : i32
    %c0_i32_0 = arith.constant 0 : i32
    return %arg0, %c0_i32 : i32, i32
  }
  func.func @transform_1(%arg0: i32) -> (i32, i32) {
    %c0_i32 = arith.constant 0 : i32
    %c0_i32_0 = arith.constant 0 : i32
    %c0_i32_1 = arith.constant 0 : i32
    return %c0_i32, %c0_i32_0 : i32, i32
  }
  func.func @transform_2(%arg0: i32) -> (i32, i32) {
    %c0_i32 = arith.constant 0 : i32
    %c0_i32_0 = arith.constant 0 : i32
    return %arg0, %c0_i32 : i32, i32
  }
  func.func @transform_3(%arg0: i32) -> (i32, i32) {
    %c0_i32 = arith.constant 0 : i32
    %c0_i32_0 = arith.constant 0 : i32
    return %arg0, %c0_i32 : i32, i32
  }
  func.func @transform_4(%arg0: i32) -> (i32, i32) {
    %c0_i32 = arith.constant 0 : i32
    %c0_i32_0 = arith.constant 0 : i32
    return %arg0, %c0_i32 : i32, i32
  }
  func.func @transform_5(%arg0: i32) -> (i32, i32) {
    %c0_i32 = arith.constant 0 : i32
    %c0_i32_0 = arith.constant 0 : i32
    return %arg0, %c0_i32 : i32, i32
  }
  func.func @transform_6(%arg0: i32) -> (i32, i32) {
    %c0_i32 = arith.constant 0 : i32
    %c0_i32_0 = arith.constant 0 : i32
    return %arg0, %c0_i32 : i32, i32
  }
}

module attributes {stable_mosaic.version = 14 : i64} {
  func.func @_k2_body(%arg0: i32, %arg1: memref<2000x128xf32, #tpu.memory_space<vmem>>, %arg2: memref<2000x128xf32, #tpu.memory_space<vmem>>, %arg3: memref<2000x128xf32, #tpu.memory_space<vmem>>, %arg4: memref<2000x1xf32, #tpu.memory_space<vmem>>, %arg5: memref<1x128xf32, #tpu.memory_space<vmem>>, %arg6: memref<128x128xf32, #tpu.memory_space<vmem>>, %arg7: memref<2000x128xf32, #tpu.memory_space<vmem>>, %arg8: memref<2000x128xf32, #tpu.memory_space<vmem>>) attributes {dimension_semantics = [#tpu.dimension_semantics<arbitrary>], iteration_bounds = array<i64: 5>, scalar_prefetch = 0 : i64, scratch_operands = 0 : i64, tpu.core_type = #tpu.core_type<tc>, window_params = [{transform_indices = @transform_0, window_bounds = array<i64: 2000, 128>}, {transform_indices = @transform_1, window_bounds = array<i64: 2000, 128>}, {transform_indices = @transform_2, window_bounds = array<i64: 2000, 128>}, {transform_indices = @transform_3, window_bounds = array<i64: 2000, 1>}, {pipeline_mode = #tpu.pipeline_mode<synchronous>, transform_indices = @transform_4, window_bounds = array<i64: 1, 128>}, {pipeline_mode = #tpu.pipeline_mode<synchronous>, transform_indices = @transform_5, window_bounds = array<i64: 128, 128>}, {transform_indices = @transform_6, window_bounds = array<i64: 2000, 128>}, {transform_indices = @transform_7, window_bounds = array<i64: 2000, 128>}]} {
    %get3A = arith.constant 0 : index
    %get3A_0 = arith.constant 0 : index
    %get3A_1 = vector.load %arg4[%get3A, %get3A_0] : memref<2000x1xf32, #tpu.memory_space<vmem>>, vector<2000x1xf32>
    %get3A_2 = arith.constant 0 : index
    %get3A_3 = arith.constant 0 : index
    %get3A_4 = vector.load %arg1[%get3A_2, %get3A_3] : memref<2000x128xf32, #tpu.memory_space<vmem>>, vector<2000x128xf32>
    %get3A_5 = arith.constant 0 : index
    %get3A_6 = arith.constant 0 : index
    %get3A_7 = vector.load %arg2[%get3A_5, %get3A_6] : memref<2000x128xf32, #tpu.memory_space<vmem>>, vector<2000x128xf32>
    %add3A = arith.addf %get3A_4, %get3A_7 : vector<2000x128xf32>
    %mul3A = vector.broadcast %get3A_1 : vector<2000x1xf32> to vector<2000x128xf32>
    %mul3A_8 = arith.mulf %add3A, %mul3A : vector<2000x128xf32>
    %get3A_9 = arith.constant 0 : index
    %get3A_10 = arith.constant 0 : index
    %get3A_11 = vector.load %arg3[%get3A_9, %get3A_10] : memref<2000x128xf32, #tpu.memory_space<vmem>>, vector<2000x128xf32>
    %mul3A_12 = arith.mulf %get3A_1, %get3A_1 : vector<2000x1xf32>
    %mul3A_13 = vector.broadcast %mul3A_12 : vector<2000x1xf32> to vector<2000x128xf32>
    %mul3A_14 = arith.mulf %get3A_11, %mul3A_13 : vector<2000x128xf32>
    %add3A_15 = arith.addf %mul3A_8, %mul3A_14 : vector<2000x128xf32>
    %get3A_16 = arith.constant 0 : index
    %get3A_17 = arith.constant 0 : index
    %get3A_18 = vector.load %arg5[%get3A_16, %get3A_17] : memref<1x128xf32, #tpu.memory_space<vmem>>, vector<1x128xf32>
    %add3A_19 = vector.broadcast %get3A_18 : vector<1x128xf32> to vector<2000x128xf32>
    %add3A_20 = arith.addf %add3A_15, %add3A_19 : vector<2000x128xf32>
    %max3A = arith.constant 0.000000e+00 : f32
    %max3A_21 = vector.broadcast %max3A : f32 to vector<2000x128xf32>
    %max3A_22 = arith.maximumf %add3A_20, %max3A_21 : vector<2000x128xf32>
    %get3A_23 = arith.constant 0 : index
    %get3A_24 = arith.constant 0 : index
    %get3A_25 = vector.load %arg6[%get3A_23, %get3A_24] : memref<128x128xf32, #tpu.memory_space<vmem>>, vector<128x128xf32>
    %dot_general3A = arith.constant dense<0.000000e+00> : vector<2000x128xf32>
    %dot_general3A_26 = tpu.matmul %max3A_22, %get3A_25, %dot_general3A {dimension_numbers = #tpu.dot_dimension_numbers<[1], [0], [0], [1], [0, 0, 1, 1], [], []>, transpose_lhs_hint = false} : vector<2000x128xf32>, vector<128x128xf32>, vector<2000x128xf32> -> vector<2000x128xf32>
    %swap3A = arith.constant 0 : index
    %swap3A_27 = arith.constant 0 : index
    %swap3A_28 = vector.load %arg7[%swap3A, %swap3A_27] : memref<2000x128xf32, #tpu.memory_space<vmem>>, vector<2000x128xf32>
    tpu.vector_store %arg7[%swap3A, %swap3A_27], %dot_general3A_26 {strides = array<i32>} : memref<2000x128xf32, #tpu.memory_space<vmem>>, vector<2000x128xf32>,
    %mul3A_29 = vector.broadcast %get3A_1 : vector<2000x1xf32> to vector<2000x128xf32>
    %mul3A_30 = arith.mulf %dot_general3A_26, %mul3A_29 : vector<2000x128xf32>
    %swap3A_31 = arith.constant 0 : index
    %swap3A_32 = arith.constant 0 : index
    %swap3A_33 = vector.load %arg8[%swap3A_31, %swap3A_32] : memref<2000x128xf32, #tpu.memory_space<vmem>>, vector<2000x128xf32>
    tpu.vector_store %arg8[%swap3A_31, %swap3A_32], %mul3A_30 {strides = array<i32>} : memref<2000x128xf32, #tpu.memory_space<vmem>>, vector<2000x128xf32>,
    return
  }
  func.func @transform_0(%arg0: i32) -> (i32, i32) {
    %c0_i32 = arith.constant 0 : i32
    %c0_i32_0 = arith.constant 0 : i32
    return %arg0, %c0_i32 : i32, i32
  }
  func.func @transform_1(%arg0: i32) -> (i32, i32) {
    %c0_i32 = arith.constant 0 : i32
    %c0_i32_0 = arith.constant 0 : i32
    return %arg0, %c0_i32 : i32, i32
  }
  func.func @transform_2(%arg0: i32) -> (i32, i32) {
    %c0_i32 = arith.constant 0 : i32
    %c0_i32_0 = arith.constant 0 : i32
    return %arg0, %c0_i32 : i32, i32
  }
  func.func @transform_3(%arg0: i32) -> (i32, i32) {
    %c0_i32 = arith.constant 0 : i32
    %c0_i32_0 = arith.constant 0 : i32
    return %arg0, %c0_i32 : i32, i32
  }
  func.func @transform_4(%arg0: i32) -> (i32, i32) {
    %c0_i32 = arith.constant 0 : i32
    %c0_i32_0 = arith.constant 0 : i32
    %c0_i32_1 = arith.constant 0 : i32
    return %c0_i32, %c0_i32_0 : i32, i32
  }
  func.func @transform_5(%arg0: i32) -> (i32, i32) {
    %c0_i32 = arith.constant 0 : i32
    %c0_i32_0 = arith.constant 0 : i32
    %c0_i32_1 = arith.constant 0 : i32
    return %c0_i32, %c0_i32_0 : i32, i32
  }
  func.func @transform_6(%arg0: i32) -> (i32, i32) {
    %c0_i32 = arith.constant 0 : i32
    %c0_i32_0 = arith.constant 0 : i32
    return %arg0, %c0_i32 : i32, i32
  }
  func.func @transform_7(%arg0: i32) -> (i32, i32) {
    %c0_i32 = arith.constant 0 : i32
    %c0_i32_0 = arith.constant 0 : i32
    return %arg0, %c0_i32 : i32, i32
  }
}

module attributes {stable_mosaic.version = 14 : i64} {
  func.func @_k3_body(%arg0: i32, %arg1: memref<2000x128xf32, #tpu.memory_space<vmem>>, %arg2: memref<2000x128xf32, #tpu.memory_space<vmem>>, %arg3: memref<2000x128xf32, #tpu.memory_space<vmem>>, %arg4: memref<2000x1xf32, #tpu.memory_space<vmem>>, %arg5: memref<1x128xf32, #tpu.memory_space<vmem>>, %arg6: memref<128x512xf32, #tpu.memory_space<vmem>>, %arg7: memref<1x512xf32, #tpu.memory_space<vmem>>, %arg8: memref<2000x512xf32, #tpu.memory_space<vmem>>) attributes {dimension_semantics = [#tpu.dimension_semantics<arbitrary>], iteration_bounds = array<i64: 5>, scalar_prefetch = 0 : i64, scratch_operands = 0 : i64, tpu.core_type = #tpu.core_type<tc>, window_params = [{transform_indices = @transform_0, window_bounds = array<i64: 2000, 128>}, {transform_indices = @transform_1, window_bounds = array<i64: 2000, 128>}, {transform_indices = @transform_2, window_bounds = array<i64: 2000, 128>}, {transform_indices = @transform_3, window_bounds = array<i64: 2000, 1>}, {pipeline_mode = #tpu.pipeline_mode<synchronous>, transform_indices = @transform_4, window_bounds = array<i64: 1, 128>}, {pipeline_mode = #tpu.pipeline_mode<synchronous>, transform_indices = @transform_5, window_bounds = array<i64: 128, 512>}, {pipeline_mode = #tpu.pipeline_mode<synchronous>, transform_indices = @transform_6, window_bounds = array<i64: 1, 512>}, {transform_indices = @transform_7, window_bounds = array<i64: 2000, 512>}]} {
    %get3A = arith.constant 0 : index
    %get3A_0 = arith.constant 0 : index
    %get3A_1 = vector.load %arg4[%get3A, %get3A_0] : memref<2000x1xf32, #tpu.memory_space<vmem>>, vector<2000x1xf32>
    %get3A_2 = arith.constant 0 : index
    %get3A_3 = arith.constant 0 : index
    %get3A_4 = vector.load %arg1[%get3A_2, %get3A_3] : memref<2000x128xf32, #tpu.memory_space<vmem>>, vector<2000x128xf32>
    %get3A_5 = arith.constant 0 : index
    %get3A_6 = arith.constant 0 : index
    %get3A_7 = vector.load %arg2[%get3A_5, %get3A_6] : memref<2000x128xf32, #tpu.memory_space<vmem>>, vector<2000x128xf32>
    %add3A = arith.addf %get3A_4, %get3A_7 : vector<2000x128xf32>
    %mul3A = vector.broadcast %get3A_1 : vector<2000x1xf32> to vector<2000x128xf32>
    %mul3A_8 = arith.mulf %add3A, %mul3A : vector<2000x128xf32>
    %get3A_9 = arith.constant 0 : index
    %get3A_10 = arith.constant 0 : index
    %get3A_11 = vector.load %arg3[%get3A_9, %get3A_10] : memref<2000x128xf32, #tpu.memory_space<vmem>>, vector<2000x128xf32>
    %mul3A_12 = arith.mulf %get3A_1, %get3A_1 : vector<2000x1xf32>
    %mul3A_13 = vector.broadcast %mul3A_12 : vector<2000x1xf32> to vector<2000x128xf32>
    %mul3A_14 = arith.mulf %get3A_11, %mul3A_13 : vector<2000x128xf32>
    %add3A_15 = arith.addf %mul3A_8, %mul3A_14 : vector<2000x128xf32>
    %get3A_16 = arith.constant 0 : index
    %get3A_17 = arith.constant 0 : index
    %get3A_18 = vector.load %arg5[%get3A_16, %get3A_17] : memref<1x128xf32, #tpu.memory_space<vmem>>, vector<1x128xf32>
    %add3A_19 = vector.broadcast %get3A_18 : vector<1x128xf32> to vector<2000x128xf32>
    %add3A_20 = arith.addf %add3A_15, %add3A_19 : vector<2000x128xf32>
    %max3A = arith.constant 0.000000e+00 : f32
    %max3A_21 = vector.broadcast %max3A : f32 to vector<2000x128xf32>
    %max3A_22 = arith.maximumf %add3A_20, %max3A_21 : vector<2000x128xf32>
    %get3A_23 = arith.constant 0 : index
    %get3A_24 = arith.constant 0 : index
    %get3A_25 = vector.load %arg6[%get3A_23, %get3A_24] : memref<128x512xf32, #tpu.memory_space<vmem>>, vector<128x512xf32>
    %dot_general3A = arith.constant dense<0.000000e+00> : vector<2000x512xf32>
    %dot_general3A_26 = tpu.matmul %max3A_22, %get3A_25, %dot_general3A {dimension_numbers = #tpu.dot_dimension_numbers<[1], [0], [0], [1], [0, 0, 1, 1], [], []>, transpose_lhs_hint = false} : vector<2000x128xf32>, vector<128x512xf32>, vector<2000x512xf32> -> vector<2000x512xf32>
    %get3A_27 = arith.constant 0 : index
    %get3A_28 = arith.constant 0 : index
    %get3A_29 = vector.load %arg7[%get3A_27, %get3A_28] : memref<1x512xf32, #tpu.memory_space<vmem>>, vector<1x512xf32>
    %add3A_30 = vector.broadcast %get3A_29 : vector<1x512xf32> to vector<2000x512xf32>
    %add3A_31 = arith.addf %dot_general3A_26, %add3A_30 : vector<2000x512xf32>
    %swap3A = arith.constant 0 : index
    %swap3A_32 = arith.constant 0 : index
    %swap3A_33 = vector.load %arg8[%swap3A, %swap3A_32] : memref<2000x512xf32, #tpu.memory_space<vmem>>, vector<2000x512xf32>
    tpu.vector_store %arg8[%swap3A, %swap3A_32], %add3A_31 {strides = array<i32>} : memref<2000x512xf32, #tpu.memory_space<vmem>>, vector<2000x512xf32>,
    return
  }
  func.func @transform_0(%arg0: i32) -> (i32, i32) {
    %c0_i32 = arith.constant 0 : i32
    %c0_i32_0 = arith.constant 0 : i32
    return %arg0, %c0_i32 : i32, i32
  }
  func.func @transform_1(%arg0: i32) -> (i32, i32) {
    %c0_i32 = arith.constant 0 : i32
    %c0_i32_0 = arith.constant 0 : i32
    return %arg0, %c0_i32 : i32, i32
  }
  func.func @transform_2(%arg0: i32) -> (i32, i32) {
    %c0_i32 = arith.constant 0 : i32
    %c0_i32_0 = arith.constant 0 : i32
    return %arg0, %c0_i32 : i32, i32
  }
  func.func @transform_3(%arg0: i32) -> (i32, i32) {
    %c0_i32 = arith.constant 0 : i32
    %c0_i32_0 = arith.constant 0 : i32
    return %arg0, %c0_i32 : i32, i32
  }
  func.func @transform_4(%arg0: i32) -> (i32, i32) {
    %c0_i32 = arith.constant 0 : i32
    %c0_i32_0 = arith.constant 0 : i32
    %c0_i32_1 = arith.constant 0 : i32
    return %c0_i32, %c0_i32_0 : i32, i32
  }
  func.func @transform_5(%arg0: i32) -> (i32, i32) {
    %c0_i32 = arith.constant 0 : i32
    %c0_i32_0 = arith.constant 0 : i32
    %c0_i32_1 = arith.constant 0 : i32
    return %c0_i32, %c0_i32_0 : i32, i32
  }
  func.func @transform_6(%arg0: i32) -> (i32, i32) {
    %c0_i32 = arith.constant 0 : i32
    %c0_i32_0 = arith.constant 0 : i32
    %c0_i32_1 = arith.constant 0 : i32
    return %c0_i32, %c0_i32_0 : i32, i32
  }
  func.func @transform_7(%arg0: i32) -> (i32, i32) {
    %c0_i32 = arith.constant 0 : i32
    %c0_i32_0 = arith.constant 0 : i32
    return %arg0, %c0_i32 : i32, i32
  }
}

module attributes {stable_mosaic.version = 14 : i64} {
  func.func @_lstm_body(%arg0: memref<10000x4x128xf32, #tpu.memory_space<vmem>>, %arg1: memref<128x128xf32, #tpu.memory_space<vmem>>, %arg2: memref<1x128xf32, #tpu.memory_space<vmem>>, %arg3: memref<1x1xf32, #tpu.memory_space<vmem>>, %arg4: memref<4x128xf32, #tpu.memory_space<vmem>>, %arg5: memref<1x1xf32, #tpu.memory_space<vmem>>) attributes {dimension_semantics = [], scalar_prefetch = 0 : i64, scratch_operands = 0 : i64, tpu.core_type = #tpu.core_type<tc>} {
    %broadcast_in_dim3A = arith.constant 0.000000e+00 : f32
    %broadcast_in_dim3A_0 = vector.broadcast %broadcast_in_dim3A : f32 to vector<4x128xf32>
    %broadcast_in_dim3A_1 = arith.constant 0.000000e+00 : f32
    %broadcast_in_dim3A_2 = vector.broadcast %broadcast_in_dim3A_1 : f32 to vector<1x128xf32>
    %scan3A = arith.constant 0 : i32
    %scan3A_3 = arith.constant 1250 : i32
    %scan3A_4 = arith.addi %scan3A, %scan3A_3 : i32
    %scan3A_5 = arith.constant 1 : i32
    %scan3A_6:2 = scf.for %scan3A_21 = %scan3A to %scan3A_4 step %scan3A_5 iter_args(%scan3A_22 = %broadcast_in_dim3A_0, %scan3A_23 = %broadcast_in_dim3A_2) -> (vector<4x128xf32>, vector<1x128xf32>)  : i32 {
      %mul3A_24 = arith.constant 8 : i32
      %mul3A_25 = arith.muli %mul3A_24, %scan3A_21 : i32
      %add3A_26 = arith.constant 0 : i32
      %add3A_27 = arith.addi %mul3A_25, %add3A_26 : i32
      %get3A_28 = arith.constant 0 : index
      %get3A_29 = arith.constant 0 : index
      %get3A_30 = vector.load %arg1[%get3A_28, %get3A_29] : memref<128x128xf32, #tpu.memory_space<vmem>>, vector<128x128xf32>
      %dot_general3A = arith.constant dense<0.000000e+00> : vector<4x128xf32>
      %dot_general3A_31 = tpu.matmul %scan3A_22, %get3A_30, %dot_general3A {dimension_numbers = #tpu.dot_dimension_numbers<[1], [0], [0], [1], [0, 0, 1, 1], [], []>, transpose_lhs_hint = false} : vector<4x128xf32>, vector<128x128xf32>, vector<4x128xf32> -> vector<4x128xf32>
      %get3A_32 = arith.index_cast %add3A_27 : i32 to index
      %get3A_33 = arith.constant 0 : index
      %get3A_34 = arith.constant 0 : index
      %get3A_35 = vector.load %arg0[%get3A_32, %get3A_33, %get3A_34] : memref<10000x4x128xf32, #tpu.memory_space<vmem>>, vector<1x4x128xf32>
      %get3A_36 = vector.shape_cast %get3A_35 : vector<1x4x128xf32> to vector<4x128xf32>
      %add3A_37 = arith.addf %get3A_36, %dot_general3A_31 : vector<4x128xf32>
      %mul3A_38 = arith.constant 5.000000e-01 : f32
      %mul3A_39 = vector.broadcast %mul3A_38 : f32 to vector<4x128xf32>
      %mul3A_40 = arith.mulf %add3A_37, %mul3A_39 : vector<4x128xf32>
      %tanh3A = math.tanh %mul3A_40 : vector<4x128xf32>
      %tanh3A_41 = math.tanh %add3A_37 : vector<4x128xf32>
      %slice3A = vector.extract_strided_slice %tanh3A {offsets = [0, 0], sizes = [1, 128], strides = [1, 1]} : vector<4x128xf32> to vector<1x128xf32>
      %mul3A_42 = arith.constant 5.000000e-01 : f32
      %mul3A_43 = vector.broadcast %mul3A_42 : f32 to vector<1x128xf32>
      %mul3A_44 = arith.mulf %slice3A, %mul3A_43 : vector<1x128xf32>
      %add3A_45 = arith.constant 5.000000e-01 : f32
      %add3A_46 = vector.broadcast %add3A_45 : f32 to vector<1x128xf32>
      %add3A_47 = arith.addf %mul3A_44, %add3A_46 : vector<1x128xf32>
      %slice3A_48 = vector.extract_strided_slice %tanh3A {offsets = [1, 0], sizes = [1, 128], strides = [1, 1]} : vector<4x128xf32> to vector<1x128xf32>
      %mul3A_49 = arith.constant 5.000000e-01 : f32
      %mul3A_50 = vector.broadcast %mul3A_49 : f32 to vector<1x128xf32>
      %mul3A_51 = arith.mulf %slice3A_48, %mul3A_50 : vector<1x128xf32>
      %add3A_52 = arith.constant 5.000000e-01 : f32
      %add3A_53 = vector.broadcast %add3A_52 : f32 to vector<1x128xf32>
      %add3A_54 = arith.addf %mul3A_51, %add3A_53 : vector<1x128xf32>
      %slice3A_55 = vector.extract_strided_slice %tanh3A_41 {offsets = [2, 0], sizes = [1, 128], strides = [1, 1]} : vector<4x128xf32> to vector<1x128xf32>
      %slice3A_56 = vector.extract_strided_slice %tanh3A {offsets = [3, 0], sizes = [1, 128], strides = [1, 1]} : vector<4x128xf32> to vector<1x128xf32>
      %mul3A_57 = arith.constant 5.000000e-01 : f32
      %mul3A_58 = vector.broadcast %mul3A_57 : f32 to vector<1x128xf32>
      %mul3A_59 = arith.mulf %slice3A_56, %mul3A_58 : vector<1x128xf32>
      %add3A_60 = arith.constant 5.000000e-01 : f32
      %add3A_61 = vector.broadcast %add3A_60 : f32 to vector<1x128xf32>
      %add3A_62 = arith.addf %mul3A_59, %add3A_61 : vector<1x128xf32>
      %mul3A_63 = arith.mulf %add3A_54, %scan3A_23 : vector<1x128xf32>
      %mul3A_64 = arith.mulf %add3A_47, %slice3A_55 : vector<1x128xf32>
      %add3A_65 = arith.addf %mul3A_63, %mul3A_64 : vector<1x128xf32>
      %get3A_66 = arith.constant 0 : index
      %get3A_67 = arith.constant 0 : index
      %get3A_68 = vector.load %arg4[%get3A_66, %get3A_67] : memref<4x128xf32, #tpu.memory_space<vmem>>, vector<4x128xf32>
      %mul3A_69 = vector.broadcast %add3A_62 : vector<1x128xf32> to vector<4x128xf32>
      %mul3A_70 = arith.mulf %get3A_68, %mul3A_69 : vector<4x128xf32>
      %tanh3A_71 = math.tanh %add3A_65 : vector<1x128xf32>
      %mul3A_72 = vector.broadcast %tanh3A_71 : vector<1x128xf32> to vector<4x128xf32>
      %mul3A_73 = arith.mulf %mul3A_70, %mul3A_72 : vector<4x128xf32>
      %mul3A_74 = arith.constant 8 : i32
      %mul3A_75 = arith.muli %mul3A_74, %scan3A_21 : i32
      %add3A_76 = arith.constant 1 : i32
      %add3A_77 = arith.addi %mul3A_75, %add3A_76 : i32
      %get3A_78 = arith.constant 0 : index
      %get3A_79 = arith.constant 0 : index
      %get3A_80 = vector.load %arg1[%get3A_78, %get3A_79] : memref<128x128xf32, #tpu.memory_space<vmem>>, vector<128x128xf32>
      %dot_general3A_81 = arith.constant dense<0.000000e+00> : vector<4x128xf32>
      %dot_general3A_82 = tpu.matmul %mul3A_73, %get3A_80, %dot_general3A_81 {dimension_numbers = #tpu.dot_dimension_numbers<[1], [0], [0], [1], [0, 0, 1, 1], [], []>, transpose_lhs_hint = false} : vector<4x128xf32>, vector<128x128xf32>, vector<4x128xf32> -> vector<4x128xf32>
      %get3A_83 = arith.index_cast %add3A_77 : i32 to index
      %get3A_84 = arith.constant 0 : index
      %get3A_85 = arith.constant 0 : index
      %get3A_86 = vector.load %arg0[%get3A_83, %get3A_84, %get3A_85] : memref<10000x4x128xf32, #tpu.memory_space<vmem>>, vector<1x4x128xf32>
      %get3A_87 = vector.shape_cast %get3A_86 : vector<1x4x128xf32> to vector<4x128xf32>
      %add3A_88 = arith.addf %get3A_87, %dot_general3A_82 : vector<4x128xf32>
      %mul3A_89 = arith.constant 5.000000e-01 : f32
      %mul3A_90 = vector.broadcast %mul3A_89 : f32 to vector<4x128xf32>
      %mul3A_91 = arith.mulf %add3A_88, %mul3A_90 : vector<4x128xf32>
      %tanh3A_92 = math.tanh %mul3A_91 : vector<4x128xf32>
      %tanh3A_93 = math.tanh %add3A_88 : vector<4x128xf32>
      %slice3A_94 = vector.extract_strided_slice %tanh3A_92 {offsets = [0, 0], sizes = [1, 128], strides = [1, 1]} : vector<4x128xf32> to vector<1x128xf32>
      %mul3A_95 = arith.constant 5.000000e-01 : f32
      %mul3A_96 = vector.broadcast %mul3A_95 : f32 to vector<1x128xf32>
      %mul3A_97 = arith.mulf %slice3A_94, %mul3A_96 : vector<1x128xf32>
      %add3A_98 = arith.constant 5.000000e-01 : f32
      %add3A_99 = vector.broadcast %add3A_98 : f32 to vector<1x128xf32>
      %add3A_100 = arith.addf %mul3A_97, %add3A_99 : vector<1x128xf32>
      %slice3A_101 = vector.extract_strided_slice %tanh3A_92 {offsets = [1, 0], sizes = [1, 128], strides = [1, 1]} : vector<4x128xf32> to vector<1x128xf32>
      %mul3A_102 = arith.constant 5.000000e-01 : f32
      %mul3A_103 = vector.broadcast %mul3A_102 : f32 to vector<1x128xf32>
      %mul3A_104 = arith.mulf %slice3A_101, %mul3A_103 : vector<1x128xf32>
      %add3A_105 = arith.constant 5.000000e-01 : f32
      %add3A_106 = vector.broadcast %add3A_105 : f32 to vector<1x128xf32>
      %add3A_107 = arith.addf %mul3A_104, %add3A_106 : vector<1x128xf32>
      %slice3A_108 = vector.extract_strided_slice %tanh3A_93 {offsets = [2, 0], sizes = [1, 128], strides = [1, 1]} : vector<4x128xf32> to vector<1x128xf32>
      %slice3A_109 = vector.extract_strided_slice %tanh3A_92 {offsets = [3, 0], sizes = [1, 128], strides = [1, 1]} : vector<4x128xf32> to vector<1x128xf32>
      %mul3A_110 = arith.constant 5.000000e-01 : f32
      %mul3A_111 = vector.broadcast %mul3A_110 : f32 to vector<1x128xf32>
      %mul3A_112 = arith.mulf %slice3A_109, %mul3A_111 : vector<1x128xf32>
      %add3A_113 = arith.constant 5.000000e-01 : f32
      %add3A_114 = vector.broadcast %add3A_113 : f32 to vector<1x128xf32>
      %add3A_115 = arith.addf %mul3A_112, %add3A_114 : vector<1x128xf32>
      %mul3A_116 = arith.mulf %add3A_107, %add3A_65 : vector<1x128xf32>
      %mul3A_117 = arith.mulf %add3A_100, %slice3A_108 : vector<1x128xf32>
      %add3A_118 = arith.addf %mul3A_116, %mul3A_117 : vector<1x128xf32>
      %get3A_119 = arith.constant 0 : index
      %get3A_120 = arith.constant 0 : index
      %get3A_121 = vector.load %arg4[%get3A_119, %get3A_120] : memref<4x128xf32, #tpu.memory_space<vmem>>, vector<4x128xf32>
      %mul3A_122 = vector.broadcast %add3A_115 : vector<1x128xf32> to vector<4x128xf32>
      %mul3A_123 = arith.mulf %get3A_121, %mul3A_122 : vector<4x128xf32>
      %tanh3A_124 = math.tanh %add3A_118 : vector<1x128xf32>
      %mul3A_125 = vector.broadcast %tanh3A_124 : vector<1x128xf32> to vector<4x128xf32>
      %mul3A_126 = arith.mulf %mul3A_123, %mul3A_125 : vector<4x128xf32>
      %mul3A_127 = arith.constant 8 : i32
      %mul3A_128 = arith.muli %mul3A_127, %scan3A_21 : i32
      %add3A_129 = arith.constant 2 : i32
      %add3A_130 = arith.addi %mul3A_128, %add3A_129 : i32
      %get3A_131 = arith.constant 0 : index
      %get3A_132 = arith.constant 0 : index
      %get3A_133 = vector.load %arg1[%get3A_131, %get3A_132] : memref<128x128xf32, #tpu.memory_space<vmem>>, vector<128x128xf32>
      %dot_general3A_134 = arith.constant dense<0.000000e+00> : vector<4x128xf32>
      %dot_general3A_135 = tpu.matmul %mul3A_126, %get3A_133, %dot_general3A_134 {dimension_numbers = #tpu.dot_dimension_numbers<[1], [0], [0], [1], [0, 0, 1, 1], [], []>, transpose_lhs_hint = false} : vector<4x128xf32>, vector<128x128xf32>, vector<4x128xf32> -> vector<4x128xf32>
      %get3A_136 = arith.index_cast %add3A_130 : i32 to index
      %get3A_137 = arith.constant 0 : index
      %get3A_138 = arith.constant 0 : index
      %get3A_139 = vector.load %arg0[%get3A_136, %get3A_137, %get3A_138] : memref<10000x4x128xf32, #tpu.memory_space<vmem>>, vector<1x4x128xf32>
      %get3A_140 = vector.shape_cast %get3A_139 : vector<1x4x128xf32> to vector<4x128xf32>
      %add3A_141 = arith.addf %get3A_140, %dot_general3A_135 : vector<4x128xf32>
      %mul3A_142 = arith.constant 5.000000e-01 : f32
      %mul3A_143 = vector.broadcast %mul3A_142 : f32 to vector<4x128xf32>
      %mul3A_144 = arith.mulf %add3A_141, %mul3A_143 : vector<4x128xf32>
      %tanh3A_145 = math.tanh %mul3A_144 : vector<4x128xf32>
      %tanh3A_146 = math.tanh %add3A_141 : vector<4x128xf32>
      %slice3A_147 = vector.extract_strided_slice %tanh3A_145 {offsets = [0, 0], sizes = [1, 128], strides = [1, 1]} : vector<4x128xf32> to vector<1x128xf32>
      %mul3A_148 = arith.constant 5.000000e-01 : f32
      %mul3A_149 = vector.broadcast %mul3A_148 : f32 to vector<1x128xf32>
      %mul3A_150 = arith.mulf %slice3A_147, %mul3A_149 : vector<1x128xf32>
      %add3A_151 = arith.constant 5.000000e-01 : f32
      %add3A_152 = vector.broadcast %add3A_151 : f32 to vector<1x128xf32>
      %add3A_153 = arith.addf %mul3A_150, %add3A_152 : vector<1x128xf32>
      %slice3A_154 = vector.extract_strided_slice %tanh3A_145 {offsets = [1, 0], sizes = [1, 128], strides = [1, 1]} : vector<4x128xf32> to vector<1x128xf32>
      %mul3A_155 = arith.constant 5.000000e-01 : f32
      %mul3A_156 = vector.broadcast %mul3A_155 : f32 to vector<1x128xf32>
      %mul3A_157 = arith.mulf %slice3A_154, %mul3A_156 : vector<1x128xf32>
      %add3A_158 = arith.constant 5.000000e-01 : f32
      %add3A_159 = vector.broadcast %add3A_158 : f32 to vector<1x128xf32>
      %add3A_160 = arith.addf %mul3A_157, %add3A_159 : vector<1x128xf32>
      %slice3A_161 = vector.extract_strided_slice %tanh3A_146 {offsets = [2, 0], sizes = [1, 128], strides = [1, 1]} : vector<4x128xf32> to vector<1x128xf32>
      %slice3A_162 = vector.extract_strided_slice %tanh3A_145 {offsets = [3, 0], sizes = [1, 128], strides = [1, 1]} : vector<4x128xf32> to vector<1x128xf32>
      %mul3A_163 = arith.constant 5.000000e-01 : f32
      %mul3A_164 = vector.broadcast %mul3A_163 : f32 to vector<1x128xf32>
      %mul3A_165 = arith.mulf %slice3A_162, %mul3A_164 : vector<1x128xf32>
      %add3A_166 = arith.constant 5.000000e-01 : f32
      %add3A_167 = vector.broadcast %add3A_166 : f32 to vector<1x128xf32>
      %add3A_168 = arith.addf %mul3A_165, %add3A_167 : vector<1x128xf32>
      %mul3A_169 = arith.mulf %add3A_160, %add3A_118 : vector<1x128xf32>
      %mul3A_170 = arith.mulf %add3A_153, %slice3A_161 : vector<1x128xf32>
      %add3A_171 = arith.addf %mul3A_169, %mul3A_170 : vector<1x128xf32>
      %get3A_172 = arith.constant 0 : index
      %get3A_173 = arith.constant 0 : index
      %get3A_174 = vector.load %arg4[%get3A_172, %get3A_173] : memref<4x128xf32, #tpu.memory_space<vmem>>, vector<4x128xf32>
      %mul3A_175 = vector.broadcast %add3A_168 : vector<1x128xf32> to vector<4x128xf32>
      %mul3A_176 = arith.mulf %get3A_174, %mul3A_175 : vector<4x128xf32>
      %tanh3A_177 = math.tanh %add3A_171 : vector<1x128xf32>
      %mul3A_178 = vector.broadcast %tanh3A_177 : vector<1x128xf32> to vector<4x128xf32>
      %mul3A_179 = arith.mulf %mul3A_176, %mul3A_178 : vector<4x128xf32>
      %mul3A_180 = arith.constant 8 : i32
      %mul3A_181 = arith.muli %mul3A_180, %scan3A_21 : i32
      %add3A_182 = arith.constant 3 : i32
      %add3A_183 = arith.addi %mul3A_181, %add3A_182 : i32
      %get3A_184 = arith.constant 0 : index
      %get3A_185 = arith.constant 0 : index
      %get3A_186 = vector.load %arg1[%get3A_184, %get3A_185] : memref<128x128xf32, #tpu.memory_space<vmem>>, vector<128x128xf32>
      %dot_general3A_187 = arith.constant dense<0.000000e+00> : vector<4x128xf32>
      %dot_general3A_188 = tpu.matmul %mul3A_179, %get3A_186, %dot_general3A_187 {dimension_numbers = #tpu.dot_dimension_numbers<[1], [0], [0], [1], [0, 0, 1, 1], [], []>, transpose_lhs_hint = false} : vector<4x128xf32>, vector<128x128xf32>, vector<4x128xf32> -> vector<4x128xf32>
      %get3A_189 = arith.index_cast %add3A_183 : i32 to index
      %get3A_190 = arith.constant 0 : index
      %get3A_191 = arith.constant 0 : index
      %get3A_192 = vector.load %arg0[%get3A_189, %get3A_190, %get3A_191] : memref<10000x4x128xf32, #tpu.memory_space<vmem>>, vector<1x4x128xf32>
      %get3A_193 = vector.shape_cast %get3A_192 : vector<1x4x128xf32> to vector<4x128xf32>
      %add3A_194 = arith.addf %get3A_193, %dot_general3A_188 : vector<4x128xf32>
      %mul3A_195 = arith.constant 5.000000e-01 : f32
      %mul3A_196 = vector.broadcast %mul3A_195 : f32 to vector<4x128xf32>
      %mul3A_197 = arith.mulf %add3A_194, %mul3A_196 : vector<4x128xf32>
      %tanh3A_198 = math.tanh %mul3A_197 : vector<4x128xf32>
      %tanh3A_199 = math.tanh %add3A_194 : vector<4x128xf32>
      %slice3A_200 = vector.extract_strided_slice %tanh3A_198 {offsets = [0, 0], sizes = [1, 128], strides = [1, 1]} : vector<4x128xf32> to vector<1x128xf32>
      %mul3A_201 = arith.constant 5.000000e-01 : f32
      %mul3A_202 = vector.broadcast %mul3A_201 : f32 to vector<1x128xf32>
      %mul3A_203 = arith.mulf %slice3A_200, %mul3A_202 : vector<1x128xf32>
      %add3A_204 = arith.constant 5.000000e-01 : f32
      %add3A_205 = vector.broadcast %add3A_204 : f32 to vector<1x128xf32>
      %add3A_206 = arith.addf %mul3A_203, %add3A_205 : vector<1x128xf32>
      %slice3A_207 = vector.extract_strided_slice %tanh3A_198 {offsets = [1, 0], sizes = [1, 128], strides = [1, 1]} : vector<4x128xf32> to vector<1x128xf32>
      %mul3A_208 = arith.constant 5.000000e-01 : f32
      %mul3A_209 = vector.broadcast %mul3A_208 : f32 to vector<1x128xf32>
      %mul3A_210 = arith.mulf %slice3A_207, %mul3A_209 : vector<1x128xf32>
      %add3A_211 = arith.constant 5.000000e-01 : f32
      %add3A_212 = vector.broadcast %add3A_211 : f32 to vector<1x128xf32>
      %add3A_213 = arith.addf %mul3A_210, %add3A_212 : vector<1x128xf32>
      %slice3A_214 = vector.extract_strided_slice %tanh3A_199 {offsets = [2, 0], sizes = [1, 128], strides = [1, 1]} : vector<4x128xf32> to vector<1x128xf32>
      %slice3A_215 = vector.extract_strided_slice %tanh3A_198 {offsets = [3, 0], sizes = [1, 128], strides = [1, 1]} : vector<4x128xf32> to vector<1x128xf32>
      %mul3A_216 = arith.constant 5.000000e-01 : f32
      %mul3A_217 = vector.broadcast %mul3A_216 : f32 to vector<1x128xf32>
      %mul3A_218 = arith.mulf %slice3A_215, %mul3A_217 : vector<1x128xf32>
      %add3A_219 = arith.constant 5.000000e-01 : f32
      %add3A_220 = vector.broadcast %add3A_219 : f32 to vector<1x128xf32>
      %add3A_221 = arith.addf %mul3A_218, %add3A_220 : vector<1x128xf32>
      %mul3A_222 = arith.mulf %add3A_213, %add3A_171 : vector<1x128xf32>
      %mul3A_223 = arith.mulf %add3A_206, %slice3A_214 : vector<1x128xf32>
      %add3A_224 = arith.addf %mul3A_222, %mul3A_223 : vector<1x128xf32>
      %get3A_225 = arith.constant 0 : index
      %get3A_226 = arith.constant 0 : index
      %get3A_227 = vector.load %arg4[%get3A_225, %get3A_226] : memref<4x128xf32, #tpu.memory_space<vmem>>, vector<4x128xf32>
      %mul3A_228 = vector.broadcast %add3A_221 : vector<1x128xf32> to vector<4x128xf32>
      %mul3A_229 = arith.mulf %get3A_227, %mul3A_228 : vector<4x128xf32>
      %tanh3A_230 = math.tanh %add3A_224 : vector<1x128xf32>
      %mul3A_231 = vector.broadcast %tanh3A_230 : vector<1x128xf32> to vector<4x128xf32>
      %mul3A_232 = arith.mulf %mul3A_229, %mul3A_231 : vector<4x128xf32>
      %mul3A_233 = arith.constant 8 : i32
      %mul3A_234 = arith.muli %mul3A_233, %scan3A_21 : i32
      %add3A_235 = arith.constant 4 : i32
      %add3A_236 = arith.addi %mul3A_234, %add3A_235 : i32
      %get3A_237 = arith.constant 0 : index
      %get3A_238 = arith.constant 0 : index
      %get3A_239 = vector.load %arg1[%get3A_237, %get3A_238] : memref<128x128xf32, #tpu.memory_space<vmem>>, vector<128x128xf32>
      %dot_general3A_240 = arith.constant dense<0.000000e+00> : vector<4x128xf32>
      %dot_general3A_241 = tpu.matmul %mul3A_232, %get3A_239, %dot_general3A_240 {dimension_numbers = #tpu.dot_dimension_numbers<[1], [0], [0], [1], [0, 0, 1, 1], [], []>, transpose_lhs_hint = false} : vector<4x128xf32>, vector<128x128xf32>, vector<4x128xf32> -> vector<4x128xf32>
      %get3A_242 = arith.index_cast %add3A_236 : i32 to index
      %get3A_243 = arith.constant 0 : index
      %get3A_244 = arith.constant 0 : index
      %get3A_245 = vector.load %arg0[%get3A_242, %get3A_243, %get3A_244] : memref<10000x4x128xf32, #tpu.memory_space<vmem>>, vector<1x4x128xf32>
      %get3A_246 = vector.shape_cast %get3A_245 : vector<1x4x128xf32> to vector<4x128xf32>
      %add3A_247 = arith.addf %get3A_246, %dot_general3A_241 : vector<4x128xf32>
      %mul3A_248 = arith.constant 5.000000e-01 : f32
      %mul3A_249 = vector.broadcast %mul3A_248 : f32 to vector<4x128xf32>
      %mul3A_250 = arith.mulf %add3A_247, %mul3A_249 : vector<4x128xf32>
      %tanh3A_251 = math.tanh %mul3A_250 : vector<4x128xf32>
      %tanh3A_252 = math.tanh %add3A_247 : vector<4x128xf32>
      %slice3A_253 = vector.extract_strided_slice %tanh3A_251 {offsets = [0, 0], sizes = [1, 128], strides = [1, 1]} : vector<4x128xf32> to vector<1x128xf32>
      %mul3A_254 = arith.constant 5.000000e-01 : f32
      %mul3A_255 = vector.broadcast %mul3A_254 : f32 to vector<1x128xf32>
      %mul3A_256 = arith.mulf %slice3A_253, %mul3A_255 : vector<1x128xf32>
      %add3A_257 = arith.constant 5.000000e-01 : f32
      %add3A_258 = vector.broadcast %add3A_257 : f32 to vector<1x128xf32>
      %add3A_259 = arith.addf %mul3A_256, %add3A_258 : vector<1x128xf32>
      %slice3A_260 = vector.extract_strided_slice %tanh3A_251 {offsets = [1, 0], sizes = [1, 128], strides = [1, 1]} : vector<4x128xf32> to vector<1x128xf32>
      %mul3A_261 = arith.constant 5.000000e-01 : f32
      %mul3A_262 = vector.broadcast %mul3A_261 : f32 to vector<1x128xf32>
      %mul3A_263 = arith.mulf %slice3A_260, %mul3A_262 : vector<1x128xf32>
      %add3A_264 = arith.constant 5.000000e-01 : f32
      %add3A_265 = vector.broadcast %add3A_264 : f32 to vector<1x128xf32>
      %add3A_266 = arith.addf %mul3A_263, %add3A_265 : vector<1x128xf32>
      %slice3A_267 = vector.extract_strided_slice %tanh3A_252 {offsets = [2, 0], sizes = [1, 128], strides = [1, 1]} : vector<4x128xf32> to vector<1x128xf32>
      %slice3A_268 = vector.extract_strided_slice %tanh3A_251 {offsets = [3, 0], sizes = [1, 128], strides = [1, 1]} : vector<4x128xf32> to vector<1x128xf32>
      %mul3A_269 = arith.constant 5.000000e-01 : f32
      %mul3A_270 = vector.broadcast %mul3A_269 : f32 to vector<1x128xf32>
      %mul3A_271 = arith.mulf %slice3A_268, %mul3A_270 : vector<1x128xf32>
      %add3A_272 = arith.constant 5.000000e-01 : f32
      %add3A_273 = vector.broadcast %add3A_272 : f32 to vector<1x128xf32>
      %add3A_274 = arith.addf %mul3A_271, %add3A_273 : vector<1x128xf32>
      %mul3A_275 = arith.mulf %add3A_266, %add3A_224 : vector<1x128xf32>
      %mul3A_276 = arith.mulf %add3A_259, %slice3A_267 : vector<1x128xf32>
      %add3A_277 = arith.addf %mul3A_275, %mul3A_276 : vector<1x128xf32>
      %get3A_278 = arith.constant 0 : index
      %get3A_279 = arith.constant 0 : index
      %get3A_280 = vector.load %arg4[%get3A_278, %get3A_279] : memref<4x128xf32, #tpu.memory_space<vmem>>, vector<4x128xf32>
      %mul3A_281 = vector.broadcast %add3A_274 : vector<1x128xf32> to vector<4x128xf32>
      %mul3A_282 = arith.mulf %get3A_280, %mul3A_281 : vector<4x128xf32>
      %tanh3A_283 = math.tanh %add3A_277 : vector<1x128xf32>
      %mul3A_284 = vector.broadcast %tanh3A_283 : vector<1x128xf32> to vector<4x128xf32>
      %mul3A_285 = arith.mulf %mul3A_282, %mul3A_284 : vector<4x128xf32>
      %mul3A_286 = arith.constant 8 : i32
      %mul3A_287 = arith.muli %mul3A_286, %scan3A_21 : i32
      %add3A_288 = arith.constant 5 : i32
      %add3A_289 = arith.addi %mul3A_287, %add3A_288 : i32
      %get3A_290 = arith.constant 0 : index
      %get3A_291 = arith.constant 0 : index
      %get3A_292 = vector.load %arg1[%get3A_290, %get3A_291] : memref<128x128xf32, #tpu.memory_space<vmem>>, vector<128x128xf32>
      %dot_general3A_293 = arith.constant dense<0.000000e+00> : vector<4x128xf32>
      %dot_general3A_294 = tpu.matmul %mul3A_285, %get3A_292, %dot_general3A_293 {dimension_numbers = #tpu.dot_dimension_numbers<[1], [0], [0], [1], [0, 0, 1, 1], [], []>, transpose_lhs_hint = false} : vector<4x128xf32>, vector<128x128xf32>, vector<4x128xf32> -> vector<4x128xf32>
      %get3A_295 = arith.index_cast %add3A_289 : i32 to index
      %get3A_296 = arith.constant 0 : index
      %get3A_297 = arith.constant 0 : index
      %get3A_298 = vector.load %arg0[%get3A_295, %get3A_296, %get3A_297] : memref<10000x4x128xf32, #tpu.memory_space<vmem>>, vector<1x4x128xf32>
      %get3A_299 = vector.shape_cast %get3A_298 : vector<1x4x128xf32> to vector<4x128xf32>
      %add3A_300 = arith.addf %get3A_299, %dot_general3A_294 : vector<4x128xf32>
      %mul3A_301 = arith.constant 5.000000e-01 : f32
      %mul3A_302 = vector.broadcast %mul3A_301 : f32 to vector<4x128xf32>
      %mul3A_303 = arith.mulf %add3A_300, %mul3A_302 : vector<4x128xf32>
      %tanh3A_304 = math.tanh %mul3A_303 : vector<4x128xf32>
      %tanh3A_305 = math.tanh %add3A_300 : vector<4x128xf32>
      %slice3A_306 = vector.extract_strided_slice %tanh3A_304 {offsets = [0, 0], sizes = [1, 128], strides = [1, 1]} : vector<4x128xf32> to vector<1x128xf32>
      %mul3A_307 = arith.constant 5.000000e-01 : f32
      %mul3A_308 = vector.broadcast %mul3A_307 : f32 to vector<1x128xf32>
      %mul3A_309 = arith.mulf %slice3A_306, %mul3A_308 : vector<1x128xf32>
      %add3A_310 = arith.constant 5.000000e-01 : f32
      %add3A_311 = vector.broadcast %add3A_310 : f32 to vector<1x128xf32>
      %add3A_312 = arith.addf %mul3A_309, %add3A_311 : vector<1x128xf32>
      %slice3A_313 = vector.extract_strided_slice %tanh3A_304 {offsets = [1, 0], sizes = [1, 128], strides = [1, 1]} : vector<4x128xf32> to vector<1x128xf32>
      %mul3A_314 = arith.constant 5.000000e-01 : f32
      %mul3A_315 = vector.broadcast %mul3A_314 : f32 to vector<1x128xf32>
      %mul3A_316 = arith.mulf %slice3A_313, %mul3A_315 : vector<1x128xf32>
      %add3A_317 = arith.constant 5.000000e-01 : f32
      %add3A_318 = vector.broadcast %add3A_317 : f32 to vector<1x128xf32>
      %add3A_319 = arith.addf %mul3A_316, %add3A_318 : vector<1x128xf32>
      %slice3A_320 = vector.extract_strided_slice %tanh3A_305 {offsets = [2, 0], sizes = [1, 128], strides = [1, 1]} : vector<4x128xf32> to vector<1x128xf32>
      %slice3A_321 = vector.extract_strided_slice %tanh3A_304 {offsets = [3, 0], sizes = [1, 128], strides = [1, 1]} : vector<4x128xf32> to vector<1x128xf32>
      %mul3A_322 = arith.constant 5.000000e-01 : f32
      %mul3A_323 = vector.broadcast %mul3A_322 : f32 to vector<1x128xf32>
      %mul3A_324 = arith.mulf %slice3A_321, %mul3A_323 : vector<1x128xf32>
      %add3A_325 = arith.constant 5.000000e-01 : f32
      %add3A_326 = vector.broadcast %add3A_325 : f32 to vector<1x128xf32>
      %add3A_327 = arith.addf %mul3A_324, %add3A_326 : vector<1x128xf32>
      %mul3A_328 = arith.mulf %add3A_319, %add3A_277 : vector<1x128xf32>
      %mul3A_329 = arith.mulf %add3A_312, %slice3A_320 : vector<1x128xf32>
      %add3A_330 = arith.addf %mul3A_328, %mul3A_329 : vector<1x128xf32>
      %get3A_331 = arith.constant 0 : index
      %get3A_332 = arith.constant 0 : index
      %get3A_333 = vector.load %arg4[%get3A_331, %get3A_332] : memref<4x128xf32, #tpu.memory_space<vmem>>, vector<4x128xf32>
      %mul3A_334 = vector.broadcast %add3A_327 : vector<1x128xf32> to vector<4x128xf32>
      %mul3A_335 = arith.mulf %get3A_333, %mul3A_334 : vector<4x128xf32>
      %tanh3A_336 = math.tanh %add3A_330 : vector<1x128xf32>
      %mul3A_337 = vector.broadcast %tanh3A_336 : vector<1x128xf32> to vector<4x128xf32>
      %mul3A_338 = arith.mulf %mul3A_335, %mul3A_337 : vector<4x128xf32>
      %mul3A_339 = arith.constant 8 : i32
      %mul3A_340 = arith.muli %mul3A_339, %scan3A_21 : i32
      %add3A_341 = arith.constant 6 : i32
      %add3A_342 = arith.addi %mul3A_340, %add3A_341 : i32
      %get3A_343 = arith.constant 0 : index
      %get3A_344 = arith.constant 0 : index
      %get3A_345 = vector.load %arg1[%get3A_343, %get3A_344] : memref<128x128xf32, #tpu.memory_space<vmem>>, vector<128x128xf32>
      %dot_general3A_346 = arith.constant dense<0.000000e+00> : vector<4x128xf32>
      %dot_general3A_347 = tpu.matmul %mul3A_338, %get3A_345, %dot_general3A_346 {dimension_numbers = #tpu.dot_dimension_numbers<[1], [0], [0], [1], [0, 0, 1, 1], [], []>, transpose_lhs_hint = false} : vector<4x128xf32>, vector<128x128xf32>, vector<4x128xf32> -> vector<4x128xf32>
      %get3A_348 = arith.index_cast %add3A_342 : i32 to index
      %get3A_349 = arith.constant 0 : index
      %get3A_350 = arith.constant 0 : index
      %get3A_351 = vector.load %arg0[%get3A_348, %get3A_349, %get3A_350] : memref<10000x4x128xf32, #tpu.memory_space<vmem>>, vector<1x4x128xf32>
      %get3A_352 = vector.shape_cast %get3A_351 : vector<1x4x128xf32> to vector<4x128xf32>
      %add3A_353 = arith.addf %get3A_352, %dot_general3A_347 : vector<4x128xf32>
      %mul3A_354 = arith.constant 5.000000e-01 : f32
      %mul3A_355 = vector.broadcast %mul3A_354 : f32 to vector<4x128xf32>
      %mul3A_356 = arith.mulf %add3A_353, %mul3A_355 : vector<4x128xf32>
      %tanh3A_357 = math.tanh %mul3A_356 : vector<4x128xf32>
      %tanh3A_358 = math.tanh %add3A_353 : vector<4x128xf32>
      %slice3A_359 = vector.extract_strided_slice %tanh3A_357 {offsets = [0, 0], sizes = [1, 128], strides = [1, 1]} : vector<4x128xf32> to vector<1x128xf32>
      %mul3A_360 = arith.constant 5.000000e-01 : f32
      %mul3A_361 = vector.broadcast %mul3A_360 : f32 to vector<1x128xf32>
      %mul3A_362 = arith.mulf %slice3A_359, %mul3A_361 : vector<1x128xf32>
      %add3A_363 = arith.constant 5.000000e-01 : f32
      %add3A_364 = vector.broadcast %add3A_363 : f32 to vector<1x128xf32>
      %add3A_365 = arith.addf %mul3A_362, %add3A_364 : vector<1x128xf32>
      %slice3A_366 = vector.extract_strided_slice %tanh3A_357 {offsets = [1, 0], sizes = [1, 128], strides = [1, 1]} : vector<4x128xf32> to vector<1x128xf32>
      %mul3A_367 = arith.constant 5.000000e-01 : f32
      %mul3A_368 = vector.broadcast %mul3A_367 : f32 to vector<1x128xf32>
      %mul3A_369 = arith.mulf %slice3A_366, %mul3A_368 : vector<1x128xf32>
      %add3A_370 = arith.constant 5.000000e-01 : f32
      %add3A_371 = vector.broadcast %add3A_370 : f32 to vector<1x128xf32>
      %add3A_372 = arith.addf %mul3A_369, %add3A_371 : vector<1x128xf32>
      %slice3A_373 = vector.extract_strided_slice %tanh3A_358 {offsets = [2, 0], sizes = [1, 128], strides = [1, 1]} : vector<4x128xf32> to vector<1x128xf32>
      %slice3A_374 = vector.extract_strided_slice %tanh3A_357 {offsets = [3, 0], sizes = [1, 128], strides = [1, 1]} : vector<4x128xf32> to vector<1x128xf32>
      %mul3A_375 = arith.constant 5.000000e-01 : f32
      %mul3A_376 = vector.broadcast %mul3A_375 : f32 to vector<1x128xf32>
      %mul3A_377 = arith.mulf %slice3A_374, %mul3A_376 : vector<1x128xf32>
      %add3A_378 = arith.constant 5.000000e-01 : f32
      %add3A_379 = vector.broadcast %add3A_378 : f32 to vector<1x128xf32>
      %add3A_380 = arith.addf %mul3A_377, %add3A_379 : vector<1x128xf32>
      %mul3A_381 = arith.mulf %add3A_372, %add3A_330 : vector<1x128xf32>
      %mul3A_382 = arith.mulf %add3A_365, %slice3A_373 : vector<1x128xf32>
      %add3A_383 = arith.addf %mul3A_381, %mul3A_382 : vector<1x128xf32>
      %get3A_384 = arith.constant 0 : index
      %get3A_385 = arith.constant 0 : index
      %get3A_386 = vector.load %arg4[%get3A_384, %get3A_385] : memref<4x128xf32, #tpu.memory_space<vmem>>, vector<4x128xf32>
      %mul3A_387 = vector.broadcast %add3A_380 : vector<1x128xf32> to vector<4x128xf32>
      %mul3A_388 = arith.mulf %get3A_386, %mul3A_387 : vector<4x128xf32>
      %tanh3A_389 = math.tanh %add3A_383 : vector<1x128xf32>
      %mul3A_390 = vector.broadcast %tanh3A_389 : vector<1x128xf32> to vector<4x128xf32>
      %mul3A_391 = arith.mulf %mul3A_388, %mul3A_390 : vector<4x128xf32>
      %mul3A_392 = arith.constant 8 : i32
      %mul3A_393 = arith.muli %mul3A_392, %scan3A_21 : i32
      %add3A_394 = arith.constant 7 : i32
      %add3A_395 = arith.addi %mul3A_393, %add3A_394 : i32
      %get3A_396 = arith.constant 0 : index
      %get3A_397 = arith.constant 0 : index
      %get3A_398 = vector.load %arg1[%get3A_396, %get3A_397] : memref<128x128xf32, #tpu.memory_space<vmem>>, vector<128x128xf32>
      %dot_general3A_399 = arith.constant dense<0.000000e+00> : vector<4x128xf32>
      %dot_general3A_400 = tpu.matmul %mul3A_391, %get3A_398, %dot_general3A_399 {dimension_numbers = #tpu.dot_dimension_numbers<[1], [0], [0], [1], [0, 0, 1, 1], [], []>, transpose_lhs_hint = false} : vector<4x128xf32>, vector<128x128xf32>, vector<4x128xf32> -> vector<4x128xf32>
      %get3A_401 = arith.index_cast %add3A_395 : i32 to index
      %get3A_402 = arith.constant 0 : index
      %get3A_403 = arith.constant 0 : index
      %get3A_404 = vector.load %arg0[%get3A_401, %get3A_402, %get3A_403] : memref<10000x4x128xf32, #tpu.memory_space<vmem>>, vector<1x4x128xf32>
      %get3A_405 = vector.shape_cast %get3A_404 : vector<1x4x128xf32> to vector<4x128xf32>
      %add3A_406 = arith.addf %get3A_405, %dot_general3A_400 : vector<4x128xf32>
      %mul3A_407 = arith.constant 5.000000e-01 : f32
      %mul3A_408 = vector.broadcast %mul3A_407 : f32 to vector<4x128xf32>
      %mul3A_409 = arith.mulf %add3A_406, %mul3A_408 : vector<4x128xf32>
      %tanh3A_410 = math.tanh %mul3A_409 : vector<4x128xf32>
      %tanh3A_411 = math.tanh %add3A_406 : vector<4x128xf32>
      %slice3A_412 = vector.extract_strided_slice %tanh3A_410 {offsets = [0, 0], sizes = [1, 128], strides = [1, 1]} : vector<4x128xf32> to vector<1x128xf32>
      %mul3A_413 = arith.constant 5.000000e-01 : f32
      %mul3A_414 = vector.broadcast %mul3A_413 : f32 to vector<1x128xf32>
      %mul3A_415 = arith.mulf %slice3A_412, %mul3A_414 : vector<1x128xf32>
      %add3A_416 = arith.constant 5.000000e-01 : f32
      %add3A_417 = vector.broadcast %add3A_416 : f32 to vector<1x128xf32>
      %add3A_418 = arith.addf %mul3A_415, %add3A_417 : vector<1x128xf32>
      %slice3A_419 = vector.extract_strided_slice %tanh3A_410 {offsets = [1, 0], sizes = [1, 128], strides = [1, 1]} : vector<4x128xf32> to vector<1x128xf32>
      %mul3A_420 = arith.constant 5.000000e-01 : f32
      %mul3A_421 = vector.broadcast %mul3A_420 : f32 to vector<1x128xf32>
      %mul3A_422 = arith.mulf %slice3A_419, %mul3A_421 : vector<1x128xf32>
      %add3A_423 = arith.constant 5.000000e-01 : f32
      %add3A_424 = vector.broadcast %add3A_423 : f32 to vector<1x128xf32>
      %add3A_425 = arith.addf %mul3A_422, %add3A_424 : vector<1x128xf32>
      %slice3A_426 = vector.extract_strided_slice %tanh3A_411 {offsets = [2, 0], sizes = [1, 128], strides = [1, 1]} : vector<4x128xf32> to vector<1x128xf32>
      %slice3A_427 = vector.extract_strided_slice %tanh3A_410 {offsets = [3, 0], sizes = [1, 128], strides = [1, 1]} : vector<4x128xf32> to vector<1x128xf32>
      %mul3A_428 = arith.constant 5.000000e-01 : f32
      %mul3A_429 = vector.broadcast %mul3A_428 : f32 to vector<1x128xf32>
      %mul3A_430 = arith.mulf %slice3A_427, %mul3A_429 : vector<1x128xf32>
      %add3A_431 = arith.constant 5.000000e-01 : f32
      %add3A_432 = vector.broadcast %add3A_431 : f32 to vector<1x128xf32>
      %add3A_433 = arith.addf %mul3A_430, %add3A_432 : vector<1x128xf32>
      %mul3A_434 = arith.mulf %add3A_425, %add3A_383 : vector<1x128xf32>
      %mul3A_435 = arith.mulf %add3A_418, %slice3A_426 : vector<1x128xf32>
      %add3A_436 = arith.addf %mul3A_434, %mul3A_435 : vector<1x128xf32>
      %get3A_437 = arith.constant 0 : index
      %get3A_438 = arith.constant 0 : index
      %get3A_439 = vector.load %arg4[%get3A_437, %get3A_438] : memref<4x128xf32, #tpu.memory_space<vmem>>, vector<4x128xf32>
      %mul3A_440 = vector.broadcast %add3A_433 : vector<1x128xf32> to vector<4x128xf32>
      %mul3A_441 = arith.mulf %get3A_439, %mul3A_440 : vector<4x128xf32>
      %tanh3A_442 = math.tanh %add3A_436 : vector<1x128xf32>
      %mul3A_443 = vector.broadcast %tanh3A_442 : vector<1x128xf32> to vector<4x128xf32>
      %mul3A_444 = arith.mulf %mul3A_441, %mul3A_443 : vector<4x128xf32>
      scf.yield %mul3A_444, %add3A_436 : vector<4x128xf32>, vector<1x128xf32>
    }
    %scan3A_7 = arith.constant 1250 : i32
    %get3A = arith.constant 0 : index
    %get3A_8 = arith.constant 0 : index
    %get3A_9 = vector.load %arg2[%get3A, %get3A_8] : memref<1x128xf32, #tpu.memory_space<vmem>>, vector<1x128xf32>
    %mul3A = vector.broadcast %get3A_9 : vector<1x128xf32> to vector<4x128xf32>
    %mul3A_10 = arith.mulf %scan3A_6#0, %mul3A : vector<4x128xf32>
    %reduce_sum3A = vector.shape_cast %mul3A_10 : vector<4x128xf32> to vector<1x4x128xf32>
    %reduce_sum3A_11 = arith.constant dense<0.000000e+00> : vector<1xf32>
    %reduce_sum3A_12 = vector.multi_reduction <add>, %reduce_sum3A, %reduce_sum3A_11 [1, 2] : vector<1x4x128xf32> to vector<1xf32>
    %reduce_sum3A_13 = vector.shape_cast %reduce_sum3A_12 : vector<1xf32> to vector<1x1x1xf32>
    %reduce_sum3A_14 = vector.extract %reduce_sum3A_13[0, 0, 0] : f32 from vector<1x1x1xf32>
    %get3A_15 = arith.constant 0 : index
    %get3A_16 = arith.constant 0 : index
    %get3A_17 = vector.load %arg3[%get3A_15, %get3A_16] : memref<1x1xf32, #tpu.memory_space<vmem>>, vector<1x1xf32>
    %get3A_18 = vector.extract %get3A_17[0, 0] : f32 from vector<1x1xf32>
    %add3A = arith.addf %reduce_sum3A_14, %get3A_18 : f32
    %reshape3A = vector.broadcast %add3A : f32 to vector<1x1xf32>
    %swap3A = arith.constant 0 : index
    %swap3A_19 = arith.constant 0 : index
    %swap3A_20 = vector.load %arg5[%swap3A, %swap3A_19] : memref<1x1xf32, #tpu.memory_space<vmem>>, vector<1x1xf32>
    tpu.vector_store %arg5[%swap3A, %swap3A_19], %reshape3A {strides = array<i32>} : memref<1x1xf32, #tpu.memory_space<vmem>>, vector<1x1xf32>,
    return
  }
}

</mosaic_0001>

<sc_bundles>
// kernel: kernel.12.cloned.1.call-start
scs
__scs_entry_jumppad:
0x0: {  	(pc) =	sbr.rel $0x88, $3  }
0x1: {  	(tag) =	ssettag $0x0;
	lr =	simm.s32 $0x1  }
0x2: {  	[smem:$0x3F95] =	sst lr;
	_ =	strace $0xD0000000  }
0x3: {  	_ = 	snop  }
0x4: {  	_ = 	snop  }
0x5: {  	_ = 	snop  }
0x6: {  	_ = 	snop  }
0x7: {  	_ = 	snop  }
__scs_overlays_trampoline_lowered:
0x8: {  	[smem:$0x3FA4] =	sst s0  }
0x9: {  	[smem:$0x3FA5] =	sst s1  }
0xa: {  	[smem:$0x3FA6] =	sst s2  }
0xb: {  	[smem:$0x3FA7] =	sst s3  }
0xc: {  	[smem:$0x3FA8] =	sst s4  }
0xd: {  	[smem:$0x3FA9] =	sst s5  }
0xe: {  	[smem:$0x3FAA] =	sst s6  }
0xf: {  	[smem:$0x3FAB] =	sst s7  }
0x10: {  	[smem:$0x3FAC] =	sst s8  }
0x11: {  	[smem:$0x3FAD] =	sst s9;
	s0 =	simm.s32 @!p0 $0x0  }
0x12: {  	s1 =	sld [smem:$0x3F93];
	s0 =	simm.s32 @p0 $0x1  }
0x13: {  	[smem:$0x3FAE] =	sst s0;
	s0 =	simm.s32 @!p1 $0x0  }
0x14: {  	s2 =	sld [smem:$0x3F92];
	s0 =	simm.s32 @p1 $0x1  }
0x15: {  	[smem:$0x3FAF] =	sst s0;
	s0 =	simm.s32 @!p2 $0x0  }
0x16: {  	s3 =	sld [smem:$0x3FDB];
	s0 =	simm.s32 @p2 $0x1  }
0x17: {  	s4 =	simm.s32 $0x1BF5;
	[smem:$0x3FB1] =	sst s0  }
0x18: {  	s0 =	sld [smem:$0x3F94];
	_ =	swait.ge [sflag:s4], $0x0  }
0x19: {  	s7 =	sld [smem:$0x3F95]  }
0x1a: {  	s8 =	sadd.s32 $0xFFFFE003, lr  }
0x1b: {  	s9 =	sadd.s32 $0xFFFFFEF7, lr;
	s5 =	simm.s32 $0xFFFFFFFF;
	p2 =	slt.u32 s8, $0xFFFFF086  }
0x1c: {  	p1 =	slt.u32 s9, $0xF7A;
	s5 =	simm.s32 @!p2 $0x0  }
0x1d: {  	s5 =	simm.s32 @p1 $0x1;
	p0 =	seq.s32 s7, s2  }
0x1e: {  	s7 =	smul.u32 @!p0 $0xF7A, s2;
	p2 =	seq.s32 @!p0 s5, $0x0  }
0x1f: {  	s9 =	smul.u32 $0xF7A, s1;
	s8 =	simm.s32 @!p0 $0x1BF5;
	p2 =	por !p2, p0  }
0x20: {  	[sflag:s8] =	ssyncset.s32 @!p0 $0xFFFFF086;
	s6 =	sadd.s32 @!p0 s3, s7;
	s7 =	simm.s32 @!p0 $0x108  }
0x21: {  	s3 =	sadd.s32 s3, s9;
	s6 =	sadd.s32 @!p0 $0x88, s6;
	s7 =	simm.s32 @p2 $0x1082  }
0x22: {  	[simem:s7], [sflag:s8] =	dma.local @!p0 [hbm:s6], $0xF7A  }
0x23: {  	s9 =	sor.u32 $0xD0000000, s2;
	s6 =	simm.s32 $0x108;
	_ =	swait.ge @!p0 [sflag:s8], $0x0  }
0x24: {  	s3 =	sadd.s32 $0x88, s3;
	s6 =	simm.s32 @!p1 $0x1082;
	[sflag:s4] =	ssyncset.s32 $0xFFFFF086  }
0x25: {  	[simem:s6], [sflag:s4] =	dma.local [hbm:s3], $0xF7A  }
0x26: {  	[smem:$0x3F95] =	sst s1;
	(tag) =	ssettag s2;
	_ =	strace s9  }
0x27: {  	s1 =	sld [smem:$0x3FA5]  }
0x28: {  	s2 =	sld [smem:$0x3FA6]  }
0x29: {  	s4 =	sld [smem:$0x3FA8]  }
0x2a: {  	p0 =	seq.s32 s5, $0x0;
	s5 =	sld [smem:$0x3FA9]  }
0x2b: {  	s6 =	sld [smem:$0x3FAA]  }
0x2c: {  	s7 =	sld [smem:$0x3FAB]  }
0x2d: {  	s3 =	simm.s32 $0x108;
	s8 =	sld [smem:$0x3FAC]  }
0x2e: {  	s3 =	simm.s32 @!p0 $0x1082;
	s9 =	sld [smem:$0x3FAD]  }
0x2f: {  	lr =	sadd.s32 s0, s3;
	s0 =	sld [smem:$0x3FA4]  }
0x30: {  	s3 =	sld [smem:$0x3FA7]  }
0x31: {  	[smem:$0x3FB0] =	sst s10  }
0x32: {  	s10 =	sld [smem:$0x3FAE];
	_ =	sdelay $0x3  }
0x33: {  	p0 =	seq.s32 s10, $0x1;
	s10 =	sld [smem:$0x3FB0];
	_ =	sdelay $0x3  }
0x34: {  	[smem:$0x3FB0] =	sst s10  }
0x35: {  	s10 =	sld [smem:$0x3FAF];
	_ =	sdelay $0x3  }
0x36: {  	p1 =	seq.s32 s10, $0x1;
	s10 =	sld [smem:$0x3FB0];
	_ =	sdelay $0x3  }
0x37: {  	[smem:$0x3FB0] =	sst s10  }
0x38: {  	s10 =	sld [smem:$0x3FB1]  }
0x39: {  	_ = 	snop;
	(pc) =	sbr.ind lr, $3  }
0x3a: {  	_ = 	snop  }
0x3b: {  	_ = 	snop  }
0x3c: {  	p2 =	seq.s32 s10, $0x1;
	s10 =	sld [smem:$0x3FB0]  }
0x3d: {  	_ =	shalt  }
0x3e: {  	_ =	shalt  }
0x3f: {  	_ =	shalt  }
0x40: {  	_ =	shalt  }
0x41: {  	_ =	shalt  }
0x42: {  	_ =	shalt  }
0x43: {  	_ =	shalt  }
0x44: {  	_ =	shalt  }
0x45: {  	_ =	shalt  }
0x46: {  	_ =	shalt  }
0x47: {  	_ =	shalt  }
0x48: {  	_ =	shalt  }
0x49: {  	_ =	shalt  }
0x4a: {  	_ =	shalt  }
0x4b: {  	_ =	shalt  }
0x4c: {  	_ =	shalt  }
0x4d: {  	_ =	shalt  }
0x4e: {  	_ =	shalt  }
0x4f: {  	_ =	shalt  }
0x50: {  	_ =	shalt  }
0x51: {  	_ =	shalt  }
0x52: {  	_ =	shalt  }
0x53: {  	_ =	shalt  }
0x54: {  	_ =	shalt  }
0x55: {  	_ =	shalt  }
0x56: {  	_ =	shalt  }
0x57: {  	_ =	shalt  }
0x58: {  	_ =	shalt  }
0x59: {  	_ =	shalt  }
0x5a: {  	_ =	shalt  }
0x5b: {  	_ =	shalt  }
0x5c: {  	_ =	shalt  }
0x5d: {  	_ =	shalt  }
0x5e: {  	_ =	shalt  }
0x5f: {  	_ =	shalt  }
0x60: {  	_ =	shalt  }
0x61: {  	_ =	shalt  }
0x62: {  	_ =	shalt  }
0x63: {  	_ =	shalt  }
0x64: {  	_ =	shalt  }
0x65: {  	_ =	shalt  }
0x66: {  	_ =	shalt  }
0x67: {  	_ =	shalt  }
0x68: {  	_ =	shalt  }
0x69: {  	_ =	shalt  }
0x6a: {  	_ =	shalt  }
0x6b: {  	_ =	shalt  }
0x6c: {  	_ =	shalt  }
0x6d: {  	_ =	shalt  }
0x6e: {  	_ =	shalt  }
0x6f: {  	_ =	shalt  }
0x70: {  	_ =	shalt  }
0x71: {  	_ =	shalt  }
0x72: {  	_ =	shalt  }
0x73: {  	_ =	shalt  }
0x74: {  	_ =	shalt  }
0x75: {  	_ =	shalt  }
0x76: {  	_ =	shalt  }
0x77: {  	_ =	shalt  }
0x78: {  	_ =	shalt  }
0x79: {  	_ =	shalt  }
0x7a: {  	_ =	shalt  }
0x7b: {  	_ =	shalt  }
0x7c: {  	_ =	shalt  }
0x7d: {  	_ =	shalt  }
0x7e: {  	_ =	shalt  }
0x7f: {  	_ =	shalt  }
0x80: {  	_ =	shalt  }
0x81: {  	_ =	shalt  }
0x82: {  	_ =	shalt  }
0x83: {  	_ =	shalt  }
0x84: {  	_ =	shalt  }
0x85: {  	_ =	shalt  }
0x86: {  	_ =	shalt  }
0x87: {  	_ =	shalt  }
.Lfunc_end0:
.L_simem_size_0:
called_computation.1_lowered:
.L_overlay_start_0:
0x88: {  	s2 =	sld [smem:$0x3FD9]  }
0x89: {  	s3 =	sld [smem:$0x3FFE];
	_ =	sdelay $0x1  }
0x8a: {  	s1 =	srdreg.scid  }
0x8b: {  	s0 =	sand.u32 $0x1, s1  }
0x8c: {  	s16 =	sshll.u32 s0, $0xA;
	s2 =	sadd.s32 s3, s2  }
0x8d: {  	s2 =	sadd.s32 s2, s16  }
0x8e: {  	[smem:$0x3FBC] =	sst s2  }
0x8f: {  	_ = 	snop  }
0x90: {  	(tm) =	ssettm $0x1  }
0x91: {  	s17 =	sld [smem:$0x3FFB];
	_ =	sdelay $0x3  }
0x92: {  	_ =	strace s17  }
0x93: {  	s2 =	sld [smem:$0x3FFC];
	_ =	sdelay $0x3  }
0x94: {  	_ =	strace s2  }
0x95: {  	s2 =	sld [smem:$0x3FFD];
	_ =	sdelay $0x3  }
0x96: {  	_ =	strace s2  }
0x97: {  	_ =	strace $0x8FFFFFFF  }
0x98: {  	s18 =	sld [smem:$0x3FDB];
	_ =	sdelay $0x1  }
0x99: {  	s19 =	simm.s32 $_scs_section_size  }
0x9a: {  	s4 =	simm.s32 $_size__tile_overlayer_lowered;
	s5 =	simm.s32 $_tile_overlayer_lowered  }
0x9b: {  	s22 =	simm.s32 $0x1BFF;
	s21 =	sshll.u32 s5, $0x1;
	s2 =	sadd.s32 s19, s18  }
0x9c: {  	s6 =	simm.s32 $0x0;
	s20 =	sshll.u32 s4, $0x1;
	s4 =	sadd.s32 s21, s2  }
0x9d: {  	[timem:s6], [sflag:s22] =	dma.local [hbm:s4], s20  }
0x9e: {  	_ =	swait.ge [sflag:s22], s20  }
0x9f: {  	s3 =	ssub.s32 $0x0, s20;
	[sflag:s22] =	ssyncset.done $0x0  }
0xa0: {  	[sflag:s22] =	ssyncadd.s32 s3;
	_ =	sdelay $0x1  }
0xa1: {  	s23 =	simm.s32 $0x1B8B  }
0xa2: {  	_ =	swait.ge [sflag:s23], $0x1  }
0xa3: {  	[sflag:s23] =	ssyncset.done $0x0  }
0xa4: {  	s25 =	simm.s32 $0x1B8E;
	s24 =	sld [smem:$0x3FFE];
	[sflag:s23] =	ssyncadd.s32 $0xFFFFFFFF  }
0xa5: {  	s26 =	simm.s32 $execute0_lowered;
	[smem:$0x3FD2] =	sst s25  }
0xa6: {  	s4 =	sshll.u32 s26, $0x1;
	_ =	strace $0x80000049;
	[dreg:$0x1] =	wrdreg $0xFFFFFFFF  }
0xa7: {  	s28 =	simm.s32 $_size_execute0_lowered;
	s2 =	sadd.s32 s2, s4;
	[dreg:$0x0] =	wrdreg $0x0  }
0xa8: {  	s4 =	sshll.u32 s28, $0x1;
	[dreg:$0x2] =	wrdreg s2  }
0xa9: {  	[dreg:$0x3] =	wrdreg s4  }
0xaa: {  	[dreg:$0x4] =	wrdreg $0xC0  }
0xab: {  	_ =	task [dreg:s6], $0x5FFFF  }
0xac: {  	[dreg:$0x1] =	wrdreg $0xFFFFFFFF  }
0xad: {  	[dreg:$0x0] =	wrdreg $0x60  }
0xae: {  	[dreg:$0x2] =	wrdreg s24  }
0xaf: {  	[dreg:$0x3] =	wrdreg $0x8B000  }
0xb0: {  	[dreg:$0x4] =	wrdreg $0x9  }
0xb1: {  	_ =	task.clear_ibuf [dreg:s6], $0x5FFFF;
	_ =	strace $0x90000049  }
0xb2: {  	s29 =	simm.s32 $0x9;
	_ =	strace $0x8000004B  }
0xb3: {  	_ =	swait.ge [sflag:s29], $0x1  }
0xb4: {  	[sflag:s29] =	ssyncadd.s32 $0xFFFFFFFF  }
0xb5: {  	_ =	strace $0x9000004B  }
0xb6: {  	_ =	sfence  }
0xb7: {  	s30 =	sld [smem:$0x0];
	_ =	sdelay $0x2  }
0xb8: {  	s31 =	sshll.u32 s1, $0xD;
	s1 =	sshrl.u32 s1, $0x2  }
0xb9: {  	s3 =	sand.u32 $0x4000, s31;
	s1 =	sadd.s32 s1, s30  }
0xba: {  	s0 =	sor.u32 s3, s0;
	s1 =	sshll.u32 s1, $0x11  }
0xbb: {  	s0 =	sor.u32 s1, s0  }
0xbc: {  	s0 =	sadd.s32 $0x8F2B, s0  }
0xbd: {  	[sflag:s0] =	ssyncadd.remote.s32 $0x1  }
0xbe: {  	_ =	sfence.sel $0xFFFF  }
0xbf: {  	[dreg:$0x0] =	wrdreg $0xFFFFFFFF;
	(pc) =	sbr.abs _section_cstart, $3  }
0xc0: {  	[dreg:$0x1] =	wrdreg $0xFFFFFFFF  }
0xc1: {  	_ =	task.clear_ibuf [dreg:s6], $0x2FFFF;
	_ =	strace $0x9FFFFFFF  }
0xc2: {  	(tm) =	ssettm $0x7FFFFFFF  }
0xc3: {  	_ =	shalt  }
tec
execute0_lowered:
.L_overlay_start_1:
0x0: {  	(tag) =	ssettag $0x1  }
0x1: {  	s0 =	rddreg [dreg:$0x0]  }
0x2: {  	s2 =	rddreg [dreg:$0x1]  }
0x3: {  	s3 =	simm.s32 $0x0;
	s14 =	stileid.u32;
	s5 =	srdreg.scid  }
0x4: {  	s28 =	simm.s32 $0x5;
	s29 =	simm.s32 $0x2;
	s30 =	simm.s32 $0x6  }
0x5: {  	s31 =	simm.s32 $0x4;
	[smem:$0x7FF] =	sst s3;
	s1 =	smul.u32 $0x13800, s14  }
0x6: {  	s4 =	sadd.s32 $0x3DA00, s0;
	s6 =	sadd.s32 $0x2C00, s0;
	s5 =	sand.u32 $0x1, s5  }
0x7: {  	s8 =	sadd.s32 $0xCA00, s0;
	s11 =	sshll.u32 s14, $0x1;
	s12 =	smul.u32 $0x4E000, s14  }
0x8: {  	s13 =	sadd.s32 $0xB3000, s0;
	s15 =	sshll.u32 s14, $0x6;
	s16 =	sadd.s32 $0x138000, s2  }
0x9: {  	s19 =	smul.u32 $0x4E20, s14;
	p0 =	sne.s32 s14, $0xF;
	_ =	strace $0x8000004A  }
0xa: {  	s9 =	ssub.s32 $0x2, s5;
	s11 =	sor.u32 s5, s11;
	s17 =	smul.u32 $0x138800, s5  }
0xb: {  	[dreg:$0x5] =	wrdreg s16;
	s5 =	smul.u32 $0x2710, s5;
	s7 =	sshrl.u32 s1, $0x3  }
0xc: {  	s10 =	sshrl.u32 s9, $0x1;
	s12 =	sshrl.u32 s12, $0x2;
	s7 =	sadd.s32 s7, s0  }
0xd: {  	s9 =	ssub.s32 s9, s10;
	s10 =	smul.u32 $0x2710, s11;
	s11 =	sadd.s32 s12, s2  }
0xe: {  	s0 =	sadd.s32 $0x3D800, s0;
	s1 =	sadd.s32 s1, s17;
	s22 =	sshrl.u32 s17, $0x3  }
0xf: {  	s24 =	sadd.s32 s5, s19;
	s19 =	simm.s32 $0x7;
	[dreg:$0x3] =	wrdreg s11  }
0x10: {  	s5 =	simm.s32 $0x10;
	s7 =	sadd.s32 $0x16800, s7;
	[dreg:$0x6] =	wrdreg s0  }
0x11: {  	s21 =	sshrl.u32 s1, $0x3;
	s23 =	sadd.s32 s13, s22;
	s25 =	sshrl.u32 s24, $0x3  }
0x12: {  	s1 =	sadd.s32 $0x80, s24;
	s26 =	smax.u32 s9, $0x1;
	s22 =	simm.s32 $0x180  }
0x13: {  	s24 =	simm.s32 $0x200;
	[dreg:$0x4] =	wrdreg s7;
	s7 =	sor.u32 $0x1C07, s15  }
0x14: {  	s10 =	sshrl.u32 s10, $0x3;
	[dreg:$0xb] =	wrdreg s26;
	s15 =	sadd.s32 s25, s8  }
0x15: {  	s1 =	sshrl.u32 s1, $0x3;
	s16 =	sadd.s32 s25, s6;
	s25 =	simm.s32 $0x3  }
0x16: {  	s26 =	simm.s32 $0x4200;
	s18 =	sadd.s32 $0x4E0, s10;
	s17 =	sadd.s32 s1, s8  }
0x17: {  	s20 =	sadd.s32 s6, s18;
	s0 =	sadd.s32 s8, s18;
	s18 =	sadd.s32 s1, s6  }
0x18: {  	s1 =	simm.s32 $0x8280;
	s6 =	simm.s32 $0x8300;
	[dreg:$0x7] =	wrdreg s20  }
0x19: {  	s8 =	simm.s32 $0x0;
	[dreg:$0x8] =	wrdreg s0;
	s0 =	sadd.s32 s13, s21  }
0x1a: {  	s20 =	simm.s32 $0x100;
	[dreg:$0x9] =	wrdreg s0;
	s0 =	sadd.s32 $0x27000, s23  }
0x1b: {  	s21 =	simm.s32 $0x80;
	s23 =	simm.s32 $0x1;
	[dreg:$0xa] =	wrdreg s0  }
.LBB2_1:
0x1c: {  	s0 =	rddreg [dreg:$0x3]  }
0x1d: {  	s14 =	rddreg [dreg:$0x4];
	s9 =	sshrl.u32 s0, $0x3  }
0x1e: {  	[spmem:s9], [sflag:s7] =	dma.local [hbm:s14], $0x2700  }
0x1f: {  	_ =	swait.ge [sflag:s19], $0x2700  }
0x20: {  	s11 =	simm.s32 @!p0 $0x7;
	[sflag:s19] =	ssyncset.done $0x0;
	s0 =	rddreg [dreg:$0x5]  }
0x21: {  	[sflag:s19] =	ssyncadd.s32 $0xFFFFD900;
	s10 =	sshrl.u32 @!p0 s0, $0x3;
	s0 =	rddreg [dreg:$0x6]  }
0x22: {  	[spmem:s10], [sflag:s7] =	dma.local @!p0 [hbm:s0], $0x110  }
0x23: {  	_ =	swait.ge @!p0 [sflag:s11], $0x110  }
0x24: {  	[sflag:s11] =	ssyncset.done @!p0 $0x0  }
0x25: {  	[sflag:s11] =	ssyncadd.s32 @!p0 $0xFFFFFEF0  }
0x26: {  	s0 =	sadd.s32 $0x0, s16;
	[bflag:$0x0] =	sbarrier.arrive $0xFFFF  }
0x27: {  	[tilespmem:s3], [sflag:$0x1] =	stream.linear.gather [hbm4b:s0+s3], $0x80, $0x38;
	[tilespmem:$0x1C388] =	vst v63  }
0x28: {  	s12 =	sadd.s32 $0x0, s15  }
0x29: {  	[tilespmem:s20], [sflag:$0x2] =	stream.linear.gather [hbm4b:s12+s3], $0x80, $0x38;
	[tilespmem:$0x1C388] =	vst v63  }
0x2a: {  	s13 =	sadd.s32 $0x0, s18  }
0x2b: {  	[tilespmem:s21], [sflag:$0x3] =	stream.linear.gather [hbm4b:s13+s3], $0x80, $0x38;
	[tilespmem:$0x1C388] =	vst v63  }
0x2c: {  	s14 =	sadd.s32 $0x0, s17  }
0x2d: {  	[tilespmem:s22], [sflag:$0x4] =	stream.linear.gather [hbm4b:s14+s3], $0x80, $0x38;
	[tilespmem:$0x1C388] =	vst v63  }
0x2e: {  	_ =	swait.ge [sflag:s23], $0x80  }
0x2f: {  	[sflag:s23] =	ssyncset.done $0x0  }
0x30: {  	[sflag:s23] =	ssyncadd.s32 $0xFFFFFF80  }
0x31: {  	[tilespmem:s24], [sflag:$0x5] =	stream.indirect.gather [hbm4b:s4+s21], $0x80, s3, s21, $0xb8;
	[tilespmem:$0x1C388] =	vst v63  }
0x32: {  	_ =	swait.ge [sflag:s25], $0x80  }
0x33: {  	[sflag:s25] =	ssyncset.done $0x0  }
0x34: {  	[sflag:s25] =	ssyncadd.s32 $0xFFFFFF80  }
0x35: {  	[tilespmem:s26], [sflag:$0x6] =	stream.indirect.gather [hbm4b:s4+s21], $0x80, s21, s21, $0xb8;
	[tilespmem:$0x1C388] =	vst v63  }
0x36: {  	_ =	swait.ge [sflag:s28], $0x4000  }
0x37: {  	[sflag:s28] =	ssyncset.done $0x0  }
0x38: {  	[sflag:s28] =	ssyncadd.s32 $0xFFFFC000  }
0x39: {  	_ =	swait.ge [sflag:s29], $0x80  }
0x3a: {  	[sflag:s29] =	ssyncset.done $0x0  }
0x3b: {  	[sflag:s29] =	ssyncadd.s32 $0xFFFFFF80  }
0x3c: {  	[spmem:s2] =	stream.indirect.scatter.add.f32 [tilespmem:s24], [sflag:$0x1], $0x80, s20, s21, $0xb8;
	[tilespmem:$0x1C388] =	vst v63  }
0x3d: {  	_ =	swait.ge [sflag:s30], $0x4000  }
0x3e: {  	[sflag:s30] =	ssyncset.done $0x0  }
0x3f: {  	[sflag:s30] =	ssyncadd.s32 $0xFFFFC000  }
0x40: {  	_ =	swait.ge [sflag:s31], $0x80  }
0x41: {  	[sflag:s31] =	ssyncset.done $0x0  }
0x42: {  	[sflag:s31] =	ssyncadd.s32 $0xFFFFFF80  }
0x43: {  	[spmem:s2] =	stream.indirect.scatter.add.f32 [tilespmem:s26], [sflag:$0x2], $0x80, s22, s21, $0xb8;
	[tilespmem:$0x1C388] =	vst v63  }
0x44: {  	_ =	swait.ge [sflag:s23], $0x4000  }
0x45: {  	[sflag:s23] =	ssyncset.done $0x0  }
0x46: {  	[sflag:s23] =	ssyncadd.s32 $0xFFFFC000  }
0x47: {  	_ =	swait.ge [sflag:s29], $0x4000  }
0x48: {  	s11 =	simm.s32 $0x20;
	s12 =	simm.s32 $0x40;
	[sflag:s29] =	ssyncset.done $0x0  }
.LBB2_2:
0x49: {  	s14 =	sadd.s32 s11, s16  }
0x4a: {  	[sflag:s29] =	ssyncadd.s32 $0xFFFFC000;
	s0 =	smov.u32 s12;
	s13 =	sadd.s32 $0x20, s12  }
0x4b: {  	[tilespmem:s3], [sflag:$0x1] =	stream.linear.gather [hbm4b:s14+s3], $0x80, $0x38;
	[tilespmem:$0x1C388] =	vst v63  }
0x4c: {  	p1 =	sne.s32 s12, $0x4C0;
	s12 =	sadd.s32 s11, s15  }
0x4d: {  	[tilespmem:s20], [sflag:$0x2] =	stream.linear.gather [hbm4b:s12+s3], $0x80, $0x38;
	[tilespmem:$0x1C388] =	vst v63  }
0x4e: {  	s12 =	sadd.s32 s11, s18  }
0x4f: {  	[tilespmem:s21], [sflag:$0x3] =	stream.linear.gather [hbm4b:s12+s3], $0x80, $0x38;
	[tilespmem:$0x1C388] =	vst v63  }
0x50: {  	s12 =	sadd.s32 s11, s17;
	s11 =	smov.u32 s0  }
0x51: {  	[tilespmem:s22], [sflag:$0x4] =	stream.linear.gather [hbm4b:s12+s3], $0x80, $0x38;
	[tilespmem:$0x1C388] =	vst v63  }
0x52: {  	_ =	swait.ge [sflag:s23], $0x80  }
0x53: {  	[sflag:s23] =	ssyncset.done $0x0  }
0x54: {  	[sflag:s23] =	ssyncadd.s32 $0xFFFFFF80  }
0x55: {  	[tilespmem:s24], [sflag:$0x5] =	stream.indirect.gather [hbm4b:s4+s21], $0x80, s3, s21, $0xb8;
	[tilespmem:$0x1C388] =	vst v63  }
0x56: {  	_ =	swait.ge [sflag:s25], $0x80  }
0x57: {  	[sflag:s25] =	ssyncset.done $0x0  }
0x58: {  	[sflag:s25] =	ssyncadd.s32 $0xFFFFFF80  }
0x59: {  	[tilespmem:s26], [sflag:$0x6] =	stream.indirect.gather [hbm4b:s4+s21], $0x80, s21, s21, $0xb8;
	[tilespmem:$0x1C388] =	vst v63  }
0x5a: {  	_ =	swait.ge [sflag:s28], $0x4000  }
0x5b: {  	[sflag:s28] =	ssyncset.done $0x0  }
0x5c: {  	[sflag:s28] =	ssyncadd.s32 $0xFFFFC000  }
0x5d: {  	_ =	swait.ge [sflag:s29], $0x80  }
0x5e: {  	[sflag:s29] =	ssyncset.done $0x0  }
0x5f: {  	[sflag:s29] =	ssyncadd.s32 $0xFFFFFF80  }
0x60: {  	[spmem:s2] =	stream.indirect.scatter.add.f32 [tilespmem:s24], [sflag:$0x1], $0x80, s20, s21, $0xb8;
	[tilespmem:$0x1C388] =	vst v63  }
0x61: {  	_ =	swait.ge [sflag:s30], $0x4000  }
0x62: {  	[sflag:s30] =	ssyncset.done $0x0  }
0x63: {  	[sflag:s30] =	ssyncadd.s32 $0xFFFFC000  }
0x64: {  	_ =	swait.ge [sflag:s31], $0x80  }
0x65: {  	[sflag:s31] =	ssyncset.done $0x0  }
0x66: {  	[sflag:s31] =	ssyncadd.s32 $0xFFFFFF80  }
0x67: {  	[spmem:s2] =	stream.indirect.scatter.add.f32 [tilespmem:s26], [sflag:$0x2], $0x80, s22, s21, $0xb8;
	[tilespmem:$0x1C388] =	vst v63  }
.Ltmp0:
0x68: {  	_ =	swait.ge [sflag:s23], $0x4000;
	(pc) =	sbr.rel @p1 .LBB2_2-.Ltmp0, $4  }
0x69: {  	[sflag:s23] =	ssyncset.done $0x0  }
0x6a: {  	[sflag:s23] =	ssyncadd.s32 $0xFFFFC000  }
0x6b: {  	_ =	swait.ge [sflag:s29], $0x4000  }
0x6c: {  	s12 =	smov.u32 s13;
	[sflag:s29] =	ssyncset.done $0x0  }
0x6d: {  	s0 =	sadd.s32 s11, s16;
	[sflag:s29] =	ssyncadd.s32 $0xFFFFC000  }
0x6e: {  	[tilespmem:s3], [sflag:$0x1] =	stream.linear.gather [hbm4b:s0+s3], $0x80, $0x38;
	[tilespmem:$0x1C388] =	vst v63  }
0x6f: {  	s13 =	sadd.s32 s11, s15  }
0x70: {  	[tilespmem:s20], [sflag:$0x2] =	stream.linear.gather [hbm4b:s13+s3], $0x80, $0x38;
	[tilespmem:$0x1C388] =	vst v63  }
0x71: {  	s14 =	sadd.s32 s11, s18  }
0x72: {  	[tilespmem:s21], [sflag:$0x3] =	stream.linear.gather [hbm4b:s14+s3], $0x80, $0x38;
	[tilespmem:$0x1C388] =	vst v63  }
0x73: {  	s12 =	sadd.s32 s11, s17  }
0x74: {  	[tilespmem:s22], [sflag:$0x4] =	stream.linear.gather [hbm4b:s12+s3], $0x80, $0x38;
	[tilespmem:$0x1C388] =	vst v63  }
0x75: {  	_ =	swait.ge [sflag:s23], $0x80  }
0x76: {  	[sflag:s23] =	ssyncset.done $0x0  }
0x77: {  	[sflag:s23] =	ssyncadd.s32 $0xFFFFFF80  }
0x78: {  	[tilespmem:s24], [sflag:$0x5] =	stream.indirect.gather [hbm4b:s4+s21], $0x80, s3, s21, $0xb8;
	[tilespmem:$0x1C388] =	vst v63  }
0x79: {  	_ =	swait.ge [sflag:s25], $0x80  }
0x7a: {  	[sflag:s25] =	ssyncset.done $0x0  }
0x7b: {  	[sflag:s25] =	ssyncadd.s32 $0xFFFFFF80  }
0x7c: {  	[tilespmem:s26], [sflag:$0x6] =	stream.indirect.gather [hbm4b:s4+s21], $0x80, s21, s21, $0xb8;
	[tilespmem:$0x1C388] =	vst v63  }
0x7d: {  	_ =	swait.ge [sflag:s28], $0x4000  }
0x7e: {  	[sflag:s28] =	ssyncset.done $0x0  }
0x7f: {  	[sflag:s28] =	ssyncadd.s32 $0xFFFFC000  }
0x80: {  	_ =	swait.ge [sflag:s29], $0x80  }
0x81: {  	[sflag:s29] =	ssyncset.done $0x0  }
0x82: {  	[sflag:s29] =	ssyncadd.s32 $0xFFFFFF80  }
0x83: {  	[spmem:s2] =	stream.indirect.scatter.add.f32 [tilespmem:s24], [sflag:$0x1], $0x80, s20, s21, $0xb8;
	[tilespmem:$0x1C388] =	vst v63  }
0x84: {  	_ =	swait.ge [sflag:s30], $0x4000  }
0x85: {  	[sflag:s30] =	ssyncset.done $0x0  }
0x86: {  	[sflag:s30] =	ssyncadd.s32 $0xFFFFC000  }
0x87: {  	_ =	swait.ge [sflag:s31], $0x80  }
0x88: {  	[sflag:s31] =	ssyncset.done $0x0  }
0x89: {  	[sflag:s31] =	ssyncadd.s32 $0xFFFFFF80  }
0x8a: {  	[spmem:s2] =	stream.indirect.scatter.add.f32 [tilespmem:s26], [sflag:$0x2], $0x80, s22, s21, $0xb8;
	[tilespmem:$0x1C388] =	vst v63  }
0x8b: {  	_ =	swait.ge [sflag:s23], $0x4000  }
0x8c: {  	[sflag:s23] =	ssyncset.done $0x0  }
0x8d: {  	[sflag:s23] =	ssyncadd.s32 $0xFFFFC000  }
0x8e: {  	_ =	swait.ge [sflag:s29], $0x4000  }
0x8f: {  	[sflag:s29] =	ssyncset.done $0x0  }
0x90: {  	s14 =	simm.s32 $0x8200;
	s13 =	rddreg [dreg:$0x7];
	[sflag:s29] =	ssyncadd.s32 $0xFFFFC000  }
0x91: {  	[tilespmem:s14], [sflag:$0x7] =	stream.linear.gather [hbm4b:s13+s3], $0x10, $0x38;
	[tilespmem:$0x1C388] =	vst v63  }
0x92: {  	_ =	swait.ge [sflag:s19], $0x10  }
0x93: {  	[sflag:s19] =	ssyncset.done $0x0  }
0x94: {  	s12 =	rddreg [dreg:$0x8];
	[sflag:s19] =	ssyncadd.s32 $0xFFFFFFF0  }
0x95: {  	[tilespmem:s1], [sflag:$0x7] =	stream.linear.gather [hbm4b:s12+s3], $0x10, $0x38;
	[tilespmem:$0x1C388] =	vst v63  }
0x96: {  	_ =	swait.ge [sflag:s19], $0x10  }
0x97: {  	[sflag:s19] =	ssyncset.done $0x0  }
0x98: {  	[sflag:s19] =	ssyncadd.s32 $0xFFFFFFF0  }
0x99: {  	[tilespmem:s6], [sflag:$0x5] =	stream.indirect.gather [hbm4b:s4+s5], $0x80, s14, s5, $0xb8;
	[tilespmem:$0x1C388] =	vst v63  }
0x9a: {  	_ =	swait.ge [sflag:s28], $0x800  }
0x9b: {  	[sflag:s28] =	ssyncset.done $0x0  }
0x9c: {  	[sflag:s28] =	ssyncadd.s32 $0xFFFFF800  }
0x9d: {  	[spmem:s2] =	stream.indirect.scatter.add.f32 [tilespmem:s6], [sflag:$0x7], $0x80, s1, s5, $0xb8;
	[tilespmem:$0x1C388] =	vst v63  }
0x9e: {  	_ =	swait.ge [sflag:s19], $0x800  }
0x9f: {  	[sflag:s19] =	ssyncset.done $0x0  }
0xa0: {  	[sflag:s19] =	ssyncadd.s32 $0xFFFFF800  }
0xa1: {  	[bflag:$0x0] =	sbarrier.arrive $0xFFFF  }
0xa2: {  	s13 =	rddreg [dreg:$0x9]  }
0xa3: {  	[hbm:s13], [sflag:s7] =	dma.local [spmem:s9], $0x2700  }
0xa4: {  	_ =	swait.ge [sflag:s19], $0x2700  }
0xa5: {  	[sflag:s19] =	ssyncset.done $0x0  }
0xa6: {  	s0 =	rddreg [dreg:$0xa];
	[sflag:s19] =	ssyncadd.s32 $0xFFFFD900  }
0xa7: {  	[hbm:s0], [sflag:s7] =	dma.local @!p0 [spmem:s10], $0x100  }
0xa8: {  	s0 =	simm.s32 @!p0 $0x7  }
0xa9: {  	_ =	swait.ge @!p0 [sflag:s0], $0x100  }
0xaa: {  	s8 =	sadd.s32 $0x1, s8;
	s14 =	rddreg [dreg:$0xb]  }
0xab: {  	p1 =	sne.s32 s8, s14  }
.Ltmp1:
0xac: {  	_ = 	snop;
	(pc) =	sbr.rel @p1 .LBB2_1-.Ltmp1, $3  }
0xad: {  	_ =	sdelay $0x1  }
0xae: {  	[sflag:s0] =	ssyncset.done @!p0 $0x0  }
0xaf: {  	[sflag:s0] =	ssyncadd.s32 @!p0 $0xFFFFFF00  }
0xb0: {  	_ =	sfence.sel $0x180000  }
0xb1: {  	[bflag:$0x0] =	sbarrier.arrive $0xFFFF  }
0xb2: {  	_ =	strace $0x9000004A  }
0xb3: {  	s0 =	stileid.u32;
	[bflag:$0x2] =	sbarrier.arrive $0xFFFF  }
0xb4: {  	p0 =	sne.s32 s0, $0x0;
	s0 =	rddreg [dreg:$0x2]  }
0xb5: {  	s0 =	sadd.s32 @!p0 $0x100000, s0  }
0xb6: {  	[sflag:s0] =	ssyncadd.tile.s32 @!p0 $0x1;
	_ =	shalt  }
.Lfunc_end2:
_tile_overlayer_lowered:
.L_overlay_start_2:
0xb7: {  	(tag) =	ssettag $0x2  }
0xb8: {  	s0 =	rddreg [dreg:$0x0];
	s2 =	stileid.u32  }
0xb9: {  	s1 =	rddreg [dreg:$0x1];
	p0 =	sne.s32 s2, $0x0  }
0xba: {  	s3 =	rddreg [dreg:$0x2];
	[bflag:$0x3] =	sbarrier.arrive $0xFFFF;
	s2 =	simm.s32 @!p0 $0x1C07  }
0xbb: {  	[timem:s3], [sflag:s2] =	dma.local @!p0 [hbm:s0], s1  }
0xbc: {  	s0 =	simm.s32 @!p0 $0x7  }
0xbd: {  	_ =	swait.ge @!p0 [sflag:s0], s1  }
0xbe: {  	s1 =	ssub.s32 @!p0 $0x0, s1;
	[sflag:s0] =	ssyncset.done @!p0 $0x0  }
0xbf: {  	[sflag:s0] =	ssyncadd.s32 @!p0 s1  }
0xc0: {  	[bflag:$0x3] =	sbarrier.arrive $0xFFFF  }
0xc1: {  	_ =	shalt  }

// kernel: kernel.15.cloned.1.call-start
scs
__scs_entry_jumppad:
0x0: {  	(pc) =	sbr.rel $0x88, $3  }
0x1: {  	(tag) =	ssettag $0x0;
	lr =	simm.s32 $0x1  }
0x2: {  	[smem:$0x3F95] =	sst lr;
	_ =	strace $0xD0000000  }
0x3: {  	_ = 	snop  }
0x4: {  	_ = 	snop  }
0x5: {  	_ = 	snop  }
0x6: {  	_ = 	snop  }
0x7: {  	_ = 	snop  }
__scs_overlays_trampoline_lowered:
0x8: {  	[smem:$0x3FA4] =	sst s0  }
0x9: {  	[smem:$0x3FA5] =	sst s1  }
0xa: {  	[smem:$0x3FA6] =	sst s2  }
0xb: {  	[smem:$0x3FA7] =	sst s3  }
0xc: {  	[smem:$0x3FA8] =	sst s4  }
0xd: {  	[smem:$0x3FA9] =	sst s5  }
0xe: {  	[smem:$0x3FAA] =	sst s6  }
0xf: {  	[smem:$0x3FAB] =	sst s7  }
0x10: {  	[smem:$0x3FAC] =	sst s8  }
0x11: {  	[smem:$0x3FAD] =	sst s9;
	s0 =	simm.s32 @!p0 $0x0  }
0x12: {  	s1 =	sld [smem:$0x3F93];
	s0 =	simm.s32 @p0 $0x1  }
0x13: {  	[smem:$0x3FAE] =	sst s0;
	s0 =	simm.s32 @!p1 $0x0  }
0x14: {  	s2 =	sld [smem:$0x3F92];
	s0 =	simm.s32 @p1 $0x1  }
0x15: {  	[smem:$0x3FAF] =	sst s0;
	s0 =	simm.s32 @!p2 $0x0  }
0x16: {  	s3 =	sld [smem:$0x3FDB];
	s0 =	simm.s32 @p2 $0x1  }
0x17: {  	s4 =	simm.s32 $0x1BF5;
	[smem:$0x3FB1] =	sst s0  }
0x18: {  	s0 =	sld [smem:$0x3F94];
	_ =	swait.ge [sflag:s4], $0x0  }
0x19: {  	s7 =	sld [smem:$0x3F95]  }
0x1a: {  	s8 =	sadd.s32 $0xFFFFE003, lr  }
0x1b: {  	s9 =	sadd.s32 $0xFFFFFEF7, lr;
	s5 =	simm.s32 $0xFFFFFFFF;
	p2 =	slt.u32 s8, $0xFFFFF086  }
0x1c: {  	p1 =	slt.u32 s9, $0xF7A;
	s5 =	simm.s32 @!p2 $0x0  }
0x1d: {  	s5 =	simm.s32 @p1 $0x1;
	p0 =	seq.s32 s7, s2  }
0x1e: {  	s7 =	smul.u32 @!p0 $0xF7A, s2;
	p2 =	seq.s32 @!p0 s5, $0x0  }
0x1f: {  	s9 =	smul.u32 $0xF7A, s1;
	s8 =	simm.s32 @!p0 $0x1BF5;
	p2 =	por !p2, p0  }
0x20: {  	[sflag:s8] =	ssyncset.s32 @!p0 $0xFFFFF086;
	s6 =	sadd.s32 @!p0 s3, s7;
	s7 =	simm.s32 @!p0 $0x108  }
0x21: {  	s3 =	sadd.s32 s3, s9;
	s6 =	sadd.s32 @!p0 $0x88, s6;
	s7 =	simm.s32 @p2 $0x1082  }
0x22: {  	[simem:s7], [sflag:s8] =	dma.local @!p0 [hbm:s6], $0xF7A  }
0x23: {  	s9 =	sor.u32 $0xD0000000, s2;
	s6 =	simm.s32 $0x108;
	_ =	swait.ge @!p0 [sflag:s8], $0x0  }
0x24: {  	s3 =	sadd.s32 $0x88, s3;
	s6 =	simm.s32 @!p1 $0x1082;
	[sflag:s4] =	ssyncset.s32 $0xFFFFF086  }
0x25: {  	[simem:s6], [sflag:s4] =	dma.local [hbm:s3], $0xF7A  }
0x26: {  	[smem:$0x3F95] =	sst s1;
	(tag) =	ssettag s2;
	_ =	strace s9  }
0x27: {  	s1 =	sld [smem:$0x3FA5]  }
0x28: {  	s2 =	sld [smem:$0x3FA6]  }
0x29: {  	s4 =	sld [smem:$0x3FA8]  }
0x2a: {  	p0 =	seq.s32 s5, $0x0;
	s5 =	sld [smem:$0x3FA9]  }
0x2b: {  	s6 =	sld [smem:$0x3FAA]  }
0x2c: {  	s7 =	sld [smem:$0x3FAB]  }
0x2d: {  	s3 =	simm.s32 $0x108;
	s8 =	sld [smem:$0x3FAC]  }
0x2e: {  	s3 =	simm.s32 @!p0 $0x1082;
	s9 =	sld [smem:$0x3FAD]  }
0x2f: {  	lr =	sadd.s32 s0, s3;
	s0 =	sld [smem:$0x3FA4]  }
0x30: {  	s3 =	sld [smem:$0x3FA7]  }
0x31: {  	[smem:$0x3FB0] =	sst s10  }
0x32: {  	s10 =	sld [smem:$0x3FAE];
	_ =	sdelay $0x3  }
0x33: {  	p0 =	seq.s32 s10, $0x1;
	s10 =	sld [smem:$0x3FB0];
	_ =	sdelay $0x3  }
0x34: {  	[smem:$0x3FB0] =	sst s10  }
0x35: {  	s10 =	sld [smem:$0x3FAF];
	_ =	sdelay $0x3  }
0x36: {  	p1 =	seq.s32 s10, $0x1;
	s10 =	sld [smem:$0x3FB0];
	_ =	sdelay $0x3  }
0x37: {  	[smem:$0x3FB0] =	sst s10  }
0x38: {  	s10 =	sld [smem:$0x3FB1]  }
0x39: {  	_ = 	snop;
	(pc) =	sbr.ind lr, $3  }
0x3a: {  	_ = 	snop  }
0x3b: {  	_ = 	snop  }
0x3c: {  	p2 =	seq.s32 s10, $0x1;
	s10 =	sld [smem:$0x3FB0]  }
0x3d: {  	_ =	shalt  }
0x3e: {  	_ =	shalt  }
0x3f: {  	_ =	shalt  }
0x40: {  	_ =	shalt  }
0x41: {  	_ =	shalt  }
0x42: {  	_ =	shalt  }
0x43: {  	_ =	shalt  }
0x44: {  	_ =	shalt  }
0x45: {  	_ =	shalt  }
0x46: {  	_ =	shalt  }
0x47: {  	_ =	shalt  }
0x48: {  	_ =	shalt  }
0x49: {  	_ =	shalt  }
0x4a: {  	_ =	shalt  }
0x4b: {  	_ =	shalt  }
0x4c: {  	_ =	shalt  }
0x4d: {  	_ =	shalt  }
0x4e: {  	_ =	shalt  }
0x4f: {  	_ =	shalt  }
0x50: {  	_ =	shalt  }
0x51: {  	_ =	shalt  }
0x52: {  	_ =	shalt  }
0x53: {  	_ =	shalt  }
0x54: {  	_ =	shalt  }
0x55: {  	_ =	shalt  }
0x56: {  	_ =	shalt  }
0x57: {  	_ =	shalt  }
0x58: {  	_ =	shalt  }
0x59: {  	_ =	shalt  }
0x5a: {  	_ =	shalt  }
0x5b: {  	_ =	shalt  }
0x5c: {  	_ =	shalt  }
0x5d: {  	_ =	shalt  }
0x5e: {  	_ =	shalt  }
0x5f: {  	_ =	shalt  }
0x60: {  	_ =	shalt  }
0x61: {  	_ =	shalt  }
0x62: {  	_ =	shalt  }
0x63: {  	_ =	shalt  }
0x64: {  	_ =	shalt  }
0x65: {  	_ =	shalt  }
0x66: {  	_ =	shalt  }
0x67: {  	_ =	shalt  }
0x68: {  	_ =	shalt  }
0x69: {  	_ =	shalt  }
0x6a: {  	_ =	shalt  }
0x6b: {  	_ =	shalt  }
0x6c: {  	_ =	shalt  }
0x6d: {  	_ =	shalt  }
0x6e: {  	_ =	shalt  }
0x6f: {  	_ =	shalt  }
0x70: {  	_ =	shalt  }
0x71: {  	_ =	shalt  }
0x72: {  	_ =	shalt  }
0x73: {  	_ =	shalt  }
0x74: {  	_ =	shalt  }
0x75: {  	_ =	shalt  }
0x76: {  	_ =	shalt  }
0x77: {  	_ =	shalt  }
0x78: {  	_ =	shalt  }
0x79: {  	_ =	shalt  }
0x7a: {  	_ =	shalt  }
0x7b: {  	_ =	shalt  }
0x7c: {  	_ =	shalt  }
0x7d: {  	_ =	shalt  }
0x7e: {  	_ =	shalt  }
0x7f: {  	_ =	shalt  }
0x80: {  	_ =	shalt  }
0x81: {  	_ =	shalt  }
0x82: {  	_ =	shalt  }
0x83: {  	_ =	shalt  }
0x84: {  	_ =	shalt  }
0x85: {  	_ =	shalt  }
0x86: {  	_ =	shalt  }
0x87: {  	_ =	shalt  }
.Lfunc_end0:
.L_simem_size_0:
called_computation.2_lowered:
.L_overlay_start_0:
0x88: {  	s2 =	sld [smem:$0x3FD9]  }
0x89: {  	s3 =	sld [smem:$0x3FFE];
	_ =	sdelay $0x1  }
0x8a: {  	s1 =	srdreg.scid  }
0x8b: {  	s0 =	sand.u32 $0x1, s1  }
0x8c: {  	s16 =	sshll.u32 s0, $0xA;
	s2 =	sadd.s32 s3, s2  }
0x8d: {  	s2 =	sadd.s32 s2, s16  }
0x8e: {  	[smem:$0x3FBC] =	sst s2  }
0x8f: {  	_ = 	snop  }
0x90: {  	(tm) =	ssettm $0x1  }
0x91: {  	s17 =	sld [smem:$0x3FFB];
	_ =	sdelay $0x3  }
0x92: {  	_ =	strace s17  }
0x93: {  	s2 =	sld [smem:$0x3FFC];
	_ =	sdelay $0x3  }
0x94: {  	_ =	strace s2  }
0x95: {  	s2 =	sld [smem:$0x3FFD];
	_ =	sdelay $0x3  }
0x96: {  	_ =	strace s2  }
0x97: {  	_ =	strace $0x8FFFFFFF  }
0x98: {  	s18 =	sld [smem:$0x3FDB];
	_ =	sdelay $0x1  }
0x99: {  	s19 =	simm.s32 $_scs_section_size  }
0x9a: {  	s4 =	simm.s32 $_size__tile_overlayer_lowered;
	s5 =	simm.s32 $_tile_overlayer_lowered  }
0x9b: {  	s22 =	simm.s32 $0x1BFF;
	s21 =	sshll.u32 s5, $0x1;
	s2 =	sadd.s32 s19, s18  }
0x9c: {  	s6 =	simm.s32 $0x0;
	s20 =	sshll.u32 s4, $0x1;
	s4 =	sadd.s32 s21, s2  }
0x9d: {  	[timem:s6], [sflag:s22] =	dma.local [hbm:s4], s20  }
0x9e: {  	_ =	swait.ge [sflag:s22], s20  }
0x9f: {  	s3 =	ssub.s32 $0x0, s20;
	[sflag:s22] =	ssyncset.done $0x0  }
0xa0: {  	[sflag:s22] =	ssyncadd.s32 s3;
	_ =	sdelay $0x1  }
0xa1: {  	s23 =	simm.s32 $0x1B8B  }
0xa2: {  	_ =	swait.ge [sflag:s23], $0x1  }
0xa3: {  	[sflag:s23] =	ssyncset.done $0x0  }
0xa4: {  	s25 =	simm.s32 $0x1B8E;
	s24 =	sld [smem:$0x3FFE];
	[sflag:s23] =	ssyncadd.s32 $0xFFFFFFFF  }
0xa5: {  	s26 =	simm.s32 $execute0_lowered;
	[smem:$0x3FD2] =	sst s25  }
0xa6: {  	s4 =	sshll.u32 s26, $0x1;
	_ =	strace $0x8000004C;
	[dreg:$0x1] =	wrdreg $0xFFFFFFFF  }
0xa7: {  	s28 =	simm.s32 $_size_execute0_lowered;
	s2 =	sadd.s32 s2, s4;
	[dreg:$0x0] =	wrdreg $0x0  }
0xa8: {  	s4 =	sshll.u32 s28, $0x1;
	[dreg:$0x2] =	wrdreg s2  }
0xa9: {  	[dreg:$0x3] =	wrdreg s4  }
0xaa: {  	[dreg:$0x4] =	wrdreg $0xC0  }
0xab: {  	_ =	task [dreg:s6], $0x5FFFF  }
0xac: {  	[dreg:$0x1] =	wrdreg $0xFFFFFFFF  }
0xad: {  	[dreg:$0x0] =	wrdreg $0x60  }
0xae: {  	[dreg:$0x2] =	wrdreg s24  }
0xaf: {  	[dreg:$0x3] =	wrdreg $0x8B000  }
0xb0: {  	[dreg:$0x4] =	wrdreg $0x9  }
0xb1: {  	_ =	task.clear_ibuf [dreg:s6], $0x5FFFF;
	_ =	strace $0x9000004C  }
0xb2: {  	s29 =	simm.s32 $0x9;
	_ =	strace $0x8000004E  }
0xb3: {  	_ =	swait.ge [sflag:s29], $0x1  }
0xb4: {  	[sflag:s29] =	ssyncadd.s32 $0xFFFFFFFF  }
0xb5: {  	_ =	strace $0x9000004E  }
0xb6: {  	_ =	sfence  }
0xb7: {  	s30 =	sld [smem:$0x0];
	_ =	sdelay $0x2  }
0xb8: {  	s31 =	sshll.u32 s1, $0xD;
	s1 =	sshrl.u32 s1, $0x2  }
0xb9: {  	s3 =	sand.u32 $0x4000, s31;
	s1 =	sadd.s32 s1, s30  }
0xba: {  	s0 =	sor.u32 s3, s0;
	s1 =	sshll.u32 s1, $0x11  }
0xbb: {  	s0 =	sor.u32 s1, s0  }
0xbc: {  	s0 =	sadd.s32 $0x8F2B, s0  }
0xbd: {  	[sflag:s0] =	ssyncadd.remote.s32 $0x1  }
0xbe: {  	_ =	sfence.sel $0xFFFF  }
0xbf: {  	[dreg:$0x0] =	wrdreg $0xFFFFFFFF;
	(pc) =	sbr.abs _section_cstart, $3  }
0xc0: {  	[dreg:$0x1] =	wrdreg $0xFFFFFFFF  }
0xc1: {  	_ =	task.clear_ibuf [dreg:s6], $0x2FFFF;
	_ =	strace $0x9FFFFFFF  }
0xc2: {  	(tm) =	ssettm $0x7FFFFFFF  }
0xc3: {  	_ =	shalt  }
tec
execute0_lowered:
.L_overlay_start_1:
0x0: {  	(tag) =	ssettag $0x1  }
0x1: {  	s0 =	rddreg [dreg:$0x0]  }
0x2: {  	s2 =	rddreg [dreg:$0x1]  }
0x3: {  	s3 =	simm.s32 $0x0;
	s14 =	stileid.u32;
	s5 =	srdreg.scid  }
0x4: {  	s28 =	simm.s32 $0x5;
	s29 =	simm.s32 $0x2;
	s30 =	simm.s32 $0x6  }
0x5: {  	s31 =	simm.s32 $0x4;
	[smem:$0x7FF] =	sst s3;
	s1 =	smul.u32 $0x13800, s14  }
0x6: {  	s4 =	sadd.s32 $0x3DA00, s0;
	s6 =	sadd.s32 $0x2C00, s0;
	s5 =	sand.u32 $0x1, s5  }
0x7: {  	s8 =	sadd.s32 $0xCA00, s0;
	s11 =	sshll.u32 s14, $0x1;
	s12 =	smul.u32 $0x4E000, s14  }
0x8: {  	s13 =	sadd.s32 $0x8BE00, s0;
	s15 =	sshll.u32 s14, $0x6;
	s16 =	sadd.s32 $0x138000, s2  }
0x9: {  	s19 =	smul.u32 $0x4E20, s14;
	p0 =	sne.s32 s14, $0xF;
	_ =	strace $0x8000004D  }
0xa: {  	s9 =	ssub.s32 $0x2, s5;
	s11 =	sor.u32 s5, s11;
	s17 =	smul.u32 $0x138800, s5  }
0xb: {  	[dreg:$0x5] =	wrdreg s16;
	s5 =	smul.u32 $0x2710, s5;
	s7 =	sshrl.u32 s1, $0x3  }
0xc: {  	s10 =	sshrl.u32 s9, $0x1;
	s12 =	sshrl.u32 s12, $0x2;
	s7 =	sadd.s32 s7, s0  }
0xd: {  	s9 =	ssub.s32 s9, s10;
	s10 =	smul.u32 $0x2710, s11;
	s11 =	sadd.s32 s12, s2  }
0xe: {  	s0 =	sadd.s32 $0x3D800, s0;
	s1 =	sadd.s32 s1, s17;
	s22 =	sshrl.u32 s17, $0x3  }
0xf: {  	s24 =	sadd.s32 s5, s19;
	s19 =	simm.s32 $0x7;
	[dreg:$0x3] =	wrdreg s11  }
0x10: {  	s5 =	simm.s32 $0x10;
	s7 =	sadd.s32 $0x16800, s7;
	[dreg:$0x6] =	wrdreg s0  }
0x11: {  	s21 =	sshrl.u32 s1, $0x3;
	s23 =	sadd.s32 s13, s22;
	s25 =	sshrl.u32 s24, $0x3  }
0x12: {  	s1 =	sadd.s32 $0x80, s24;
	s26 =	smax.u32 s9, $0x1;
	s22 =	simm.s32 $0x180  }
0x13: {  	s24 =	simm.s32 $0x200;
	[dreg:$0x4] =	wrdreg s7;
	s7 =	sor.u32 $0x1C07, s15  }
0x14: {  	s10 =	sshrl.u32 s10, $0x3;
	[dreg:$0xb] =	wrdreg s26;
	s15 =	sadd.s32 s25, s8  }
0x15: {  	s1 =	sshrl.u32 s1, $0x3;
	s16 =	sadd.s32 s25, s6;
	s25 =	simm.s32 $0x3  }
0x16: {  	s26 =	simm.s32 $0x4200;
	s18 =	sadd.s32 $0x4E0, s10;
	s17 =	sadd.s32 s1, s8  }
0x17: {  	s20 =	sadd.s32 s6, s18;
	s0 =	sadd.s32 s8, s18;
	s18 =	sadd.s32 s1, s6  }
0x18: {  	s1 =	simm.s32 $0x8280;
	s6 =	simm.s32 $0x8300;
	[dreg:$0x7] =	wrdreg s20  }
0x19: {  	s8 =	simm.s32 $0x0;
	[dreg:$0x8] =	wrdreg s0;
	s0 =	sadd.s32 s13, s21  }
0x1a: {  	s20 =	simm.s32 $0x100;
	[dreg:$0x9] =	wrdreg s0;
	s0 =	sadd.s32 $0x27000, s23  }
0x1b: {  	s21 =	simm.s32 $0x80;
	s23 =	simm.s32 $0x1;
	[dreg:$0xa] =	wrdreg s0  }
.LBB2_1:
0x1c: {  	s0 =	rddreg [dreg:$0x3]  }
0x1d: {  	s14 =	rddreg [dreg:$0x4];
	s9 =	sshrl.u32 s0, $0x3  }
0x1e: {  	[spmem:s9], [sflag:s7] =	dma.local [hbm:s14], $0x2700  }
0x1f: {  	_ =	swait.ge [sflag:s19], $0x2700  }
0x20: {  	s11 =	simm.s32 @!p0 $0x7;
	[sflag:s19] =	ssyncset.done $0x0;
	s0 =	rddreg [dreg:$0x5]  }
0x21: {  	[sflag:s19] =	ssyncadd.s32 $0xFFFFD900;
	s10 =	sshrl.u32 @!p0 s0, $0x3;
	s0 =	rddreg [dreg:$0x6]  }
0x22: {  	[spmem:s10], [sflag:s7] =	dma.local @!p0 [hbm:s0], $0x110  }
0x23: {  	_ =	swait.ge @!p0 [sflag:s11], $0x110  }
0x24: {  	[sflag:s11] =	ssyncset.done @!p0 $0x0  }
0x25: {  	[sflag:s11] =	ssyncadd.s32 @!p0 $0xFFFFFEF0  }
0x26: {  	s0 =	sadd.s32 $0x0, s16;
	[bflag:$0x0] =	sbarrier.arrive $0xFFFF  }
0x27: {  	[tilespmem:s3], [sflag:$0x1] =	stream.linear.gather [hbm4b:s0+s3], $0x80, $0x38;
	[tilespmem:$0x1C388] =	vst v63  }
0x28: {  	s12 =	sadd.s32 $0x0, s15  }
0x29: {  	[tilespmem:s20], [sflag:$0x2] =	stream.linear.gather [hbm4b:s12+s3], $0x80, $0x38;
	[tilespmem:$0x1C388] =	vst v63  }
0x2a: {  	s13 =	sadd.s32 $0x0, s18  }
0x2b: {  	[tilespmem:s21], [sflag:$0x3] =	stream.linear.gather [hbm4b:s13+s3], $0x80, $0x38;
	[tilespmem:$0x1C388] =	vst v63  }
0x2c: {  	s14 =	sadd.s32 $0x0, s17  }
0x2d: {  	[tilespmem:s22], [sflag:$0x4] =	stream.linear.gather [hbm4b:s14+s3], $0x80, $0x38;
	[tilespmem:$0x1C388] =	vst v63  }
0x2e: {  	_ =	swait.ge [sflag:s23], $0x80  }
0x2f: {  	[sflag:s23] =	ssyncset.done $0x0  }
0x30: {  	[sflag:s23] =	ssyncadd.s32 $0xFFFFFF80  }
0x31: {  	[tilespmem:s24], [sflag:$0x5] =	stream.indirect.gather [hbm4b:s4+s21], $0x80, s3, s21, $0xb8;
	[tilespmem:$0x1C388] =	vst v63  }
0x32: {  	_ =	swait.ge [sflag:s25], $0x80  }
0x33: {  	[sflag:s25] =	ssyncset.done $0x0  }
0x34: {  	[sflag:s25] =	ssyncadd.s32 $0xFFFFFF80  }
0x35: {  	[tilespmem:s26], [sflag:$0x6] =	stream.indirect.gather [hbm4b:s4+s21], $0x80, s21, s21, $0xb8;
	[tilespmem:$0x1C388] =	vst v63  }
0x36: {  	_ =	swait.ge [sflag:s28], $0x4000  }
0x37: {  	[sflag:s28] =	ssyncset.done $0x0  }
0x38: {  	[sflag:s28] =	ssyncadd.s32 $0xFFFFC000  }
0x39: {  	_ =	swait.ge [sflag:s29], $0x80  }
0x3a: {  	[sflag:s29] =	ssyncset.done $0x0  }
0x3b: {  	[sflag:s29] =	ssyncadd.s32 $0xFFFFFF80  }
0x3c: {  	[spmem:s2] =	stream.indirect.scatter.add.f32 [tilespmem:s24], [sflag:$0x1], $0x80, s20, s21, $0xb8;
	[tilespmem:$0x1C388] =	vst v63  }
0x3d: {  	_ =	swait.ge [sflag:s30], $0x4000  }
0x3e: {  	[sflag:s30] =	ssyncset.done $0x0  }
0x3f: {  	[sflag:s30] =	ssyncadd.s32 $0xFFFFC000  }
0x40: {  	_ =	swait.ge [sflag:s31], $0x80  }
0x41: {  	[sflag:s31] =	ssyncset.done $0x0  }
0x42: {  	[sflag:s31] =	ssyncadd.s32 $0xFFFFFF80  }
0x43: {  	[spmem:s2] =	stream.indirect.scatter.add.f32 [tilespmem:s26], [sflag:$0x2], $0x80, s22, s21, $0xb8;
	[tilespmem:$0x1C388] =	vst v63  }
0x44: {  	_ =	swait.ge [sflag:s23], $0x4000  }
0x45: {  	[sflag:s23] =	ssyncset.done $0x0  }
0x46: {  	[sflag:s23] =	ssyncadd.s32 $0xFFFFC000  }
0x47: {  	_ =	swait.ge [sflag:s29], $0x4000  }
0x48: {  	s11 =	simm.s32 $0x20;
	s12 =	simm.s32 $0x40;
	[sflag:s29] =	ssyncset.done $0x0  }
.LBB2_2:
0x49: {  	s14 =	sadd.s32 s11, s16  }
0x4a: {  	[sflag:s29] =	ssyncadd.s32 $0xFFFFC000;
	s0 =	smov.u32 s12;
	s13 =	sadd.s32 $0x20, s12  }
0x4b: {  	[tilespmem:s3], [sflag:$0x1] =	stream.linear.gather [hbm4b:s14+s3], $0x80, $0x38;
	[tilespmem:$0x1C388] =	vst v63  }
0x4c: {  	p1 =	sne.s32 s12, $0x4C0;
	s12 =	sadd.s32 s11, s15  }
0x4d: {  	[tilespmem:s20], [sflag:$0x2] =	stream.linear.gather [hbm4b:s12+s3], $0x80, $0x38;
	[tilespmem:$0x1C388] =	vst v63  }
0x4e: {  	s12 =	sadd.s32 s11, s18  }
0x4f: {  	[tilespmem:s21], [sflag:$0x3] =	stream.linear.gather [hbm4b:s12+s3], $0x80, $0x38;
	[tilespmem:$0x1C388] =	vst v63  }
0x50: {  	s12 =	sadd.s32 s11, s17;
	s11 =	smov.u32 s0  }
0x51: {  	[tilespmem:s22], [sflag:$0x4] =	stream.linear.gather [hbm4b:s12+s3], $0x80, $0x38;
	[tilespmem:$0x1C388] =	vst v63  }
0x52: {  	_ =	swait.ge [sflag:s23], $0x80  }
0x53: {  	[sflag:s23] =	ssyncset.done $0x0  }
0x54: {  	[sflag:s23] =	ssyncadd.s32 $0xFFFFFF80  }
0x55: {  	[tilespmem:s24], [sflag:$0x5] =	stream.indirect.gather [hbm4b:s4+s21], $0x80, s3, s21, $0xb8;
	[tilespmem:$0x1C388] =	vst v63  }
0x56: {  	_ =	swait.ge [sflag:s25], $0x80  }
0x57: {  	[sflag:s25] =	ssyncset.done $0x0  }
0x58: {  	[sflag:s25] =	ssyncadd.s32 $0xFFFFFF80  }
0x59: {  	[tilespmem:s26], [sflag:$0x6] =	stream.indirect.gather [hbm4b:s4+s21], $0x80, s21, s21, $0xb8;
	[tilespmem:$0x1C388] =	vst v63  }
0x5a: {  	_ =	swait.ge [sflag:s28], $0x4000  }
0x5b: {  	[sflag:s28] =	ssyncset.done $0x0  }
0x5c: {  	[sflag:s28] =	ssyncadd.s32 $0xFFFFC000  }
0x5d: {  	_ =	swait.ge [sflag:s29], $0x80  }
0x5e: {  	[sflag:s29] =	ssyncset.done $0x0  }
0x5f: {  	[sflag:s29] =	ssyncadd.s32 $0xFFFFFF80  }
0x60: {  	[spmem:s2] =	stream.indirect.scatter.add.f32 [tilespmem:s24], [sflag:$0x1], $0x80, s20, s21, $0xb8;
	[tilespmem:$0x1C388] =	vst v63  }
0x61: {  	_ =	swait.ge [sflag:s30], $0x4000  }
0x62: {  	[sflag:s30] =	ssyncset.done $0x0  }
0x63: {  	[sflag:s30] =	ssyncadd.s32 $0xFFFFC000  }
0x64: {  	_ =	swait.ge [sflag:s31], $0x80  }
0x65: {  	[sflag:s31] =	ssyncset.done $0x0  }
0x66: {  	[sflag:s31] =	ssyncadd.s32 $0xFFFFFF80  }
0x67: {  	[spmem:s2] =	stream.indirect.scatter.add.f32 [tilespmem:s26], [sflag:$0x2], $0x80, s22, s21, $0xb8;
	[tilespmem:$0x1C388] =	vst v63  }
.Ltmp0:
0x68: {  	_ =	swait.ge [sflag:s23], $0x4000;
	(pc) =	sbr.rel @p1 .LBB2_2-.Ltmp0, $4  }
0x69: {  	[sflag:s23] =	ssyncset.done $0x0  }
0x6a: {  	[sflag:s23] =	ssyncadd.s32 $0xFFFFC000  }
0x6b: {  	_ =	swait.ge [sflag:s29], $0x4000  }
0x6c: {  	s12 =	smov.u32 s13;
	[sflag:s29] =	ssyncset.done $0x0  }
0x6d: {  	s0 =	sadd.s32 s11, s16;
	[sflag:s29] =	ssyncadd.s32 $0xFFFFC000  }
0x6e: {  	[tilespmem:s3], [sflag:$0x1] =	stream.linear.gather [hbm4b:s0+s3], $0x80, $0x38;
	[tilespmem:$0x1C388] =	vst v63  }
0x6f: {  	s13 =	sadd.s32 s11, s15  }
0x70: {  	[tilespmem:s20], [sflag:$0x2] =	stream.linear.gather [hbm4b:s13+s3], $0x80, $0x38;
	[tilespmem:$0x1C388] =	vst v63  }
0x71: {  	s14 =	sadd.s32 s11, s18  }
0x72: {  	[tilespmem:s21], [sflag:$0x3] =	stream.linear.gather [hbm4b:s14+s3], $0x80, $0x38;
	[tilespmem:$0x1C388] =	vst v63  }
0x73: {  	s12 =	sadd.s32 s11, s17  }
0x74: {  	[tilespmem:s22], [sflag:$0x4] =	stream.linear.gather [hbm4b:s12+s3], $0x80, $0x38;
	[tilespmem:$0x1C388] =	vst v63  }
0x75: {  	_ =	swait.ge [sflag:s23], $0x80  }
0x76: {  	[sflag:s23] =	ssyncset.done $0x0  }
0x77: {  	[sflag:s23] =	ssyncadd.s32 $0xFFFFFF80  }
0x78: {  	[tilespmem:s24], [sflag:$0x5] =	stream.indirect.gather [hbm4b:s4+s21], $0x80, s3, s21, $0xb8;
	[tilespmem:$0x1C388] =	vst v63  }
0x79: {  	_ =	swait.ge [sflag:s25], $0x80  }
0x7a: {  	[sflag:s25] =	ssyncset.done $0x0  }
0x7b: {  	[sflag:s25] =	ssyncadd.s32 $0xFFFFFF80  }
0x7c: {  	[tilespmem:s26], [sflag:$0x6] =	stream.indirect.gather [hbm4b:s4+s21], $0x80, s21, s21, $0xb8;
	[tilespmem:$0x1C388] =	vst v63  }
0x7d: {  	_ =	swait.ge [sflag:s28], $0x4000  }
0x7e: {  	[sflag:s28] =	ssyncset.done $0x0  }
0x7f: {  	[sflag:s28] =	ssyncadd.s32 $0xFFFFC000  }
0x80: {  	_ =	swait.ge [sflag:s29], $0x80  }
0x81: {  	[sflag:s29] =	ssyncset.done $0x0  }
0x82: {  	[sflag:s29] =	ssyncadd.s32 $0xFFFFFF80  }
0x83: {  	[spmem:s2] =	stream.indirect.scatter.add.f32 [tilespmem:s24], [sflag:$0x1], $0x80, s20, s21, $0xb8;
	[tilespmem:$0x1C388] =	vst v63  }
0x84: {  	_ =	swait.ge [sflag:s30], $0x4000  }
0x85: {  	[sflag:s30] =	ssyncset.done $0x0  }
0x86: {  	[sflag:s30] =	ssyncadd.s32 $0xFFFFC000  }
0x87: {  	_ =	swait.ge [sflag:s31], $0x80  }
0x88: {  	[sflag:s31] =	ssyncset.done $0x0  }
0x89: {  	[sflag:s31] =	ssyncadd.s32 $0xFFFFFF80  }
0x8a: {  	[spmem:s2] =	stream.indirect.scatter.add.f32 [tilespmem:s26], [sflag:$0x2], $0x80, s22, s21, $0xb8;
	[tilespmem:$0x1C388] =	vst v63  }
0x8b: {  	_ =	swait.ge [sflag:s23], $0x4000  }
0x8c: {  	[sflag:s23] =	ssyncset.done $0x0  }
0x8d: {  	[sflag:s23] =	ssyncadd.s32 $0xFFFFC000  }
0x8e: {  	_ =	swait.ge [sflag:s29], $0x4000  }
0x8f: {  	[sflag:s29] =	ssyncset.done $0x0  }
0x90: {  	s14 =	simm.s32 $0x8200;
	s13 =	rddreg [dreg:$0x7];
	[sflag:s29] =	ssyncadd.s32 $0xFFFFC000  }
0x91: {  	[tilespmem:s14], [sflag:$0x7] =	stream.linear.gather [hbm4b:s13+s3], $0x10, $0x38;
	[tilespmem:$0x1C388] =	vst v63  }
0x92: {  	_ =	swait.ge [sflag:s19], $0x10  }
0x93: {  	[sflag:s19] =	ssyncset.done $0x0  }
0x94: {  	s12 =	rddreg [dreg:$0x8];
	[sflag:s19] =	ssyncadd.s32 $0xFFFFFFF0  }
0x95: {  	[tilespmem:s1], [sflag:$0x7] =	stream.linear.gather [hbm4b:s12+s3], $0x10, $0x38;
	[tilespmem:$0x1C388] =	vst v63  }
0x96: {  	_ =	swait.ge [sflag:s19], $0x10  }
0x97: {  	[sflag:s19] =	ssyncset.done $0x0  }
0x98: {  	[sflag:s19] =	ssyncadd.s32 $0xFFFFFFF0  }
0x99: {  	[tilespmem:s6], [sflag:$0x5] =	stream.indirect.gather [hbm4b:s4+s5], $0x80, s14, s5, $0xb8;
	[tilespmem:$0x1C388] =	vst v63  }
0x9a: {  	_ =	swait.ge [sflag:s28], $0x800  }
0x9b: {  	[sflag:s28] =	ssyncset.done $0x0  }
0x9c: {  	[sflag:s28] =	ssyncadd.s32 $0xFFFFF800  }
0x9d: {  	[spmem:s2] =	stream.indirect.scatter.add.f32 [tilespmem:s6], [sflag:$0x7], $0x80, s1, s5, $0xb8;
	[tilespmem:$0x1C388] =	vst v63  }
0x9e: {  	_ =	swait.ge [sflag:s19], $0x800  }
0x9f: {  	[sflag:s19] =	ssyncset.done $0x0  }
0xa0: {  	[sflag:s19] =	ssyncadd.s32 $0xFFFFF800  }
0xa1: {  	[bflag:$0x0] =	sbarrier.arrive $0xFFFF  }
0xa2: {  	s13 =	rddreg [dreg:$0x9]  }
0xa3: {  	[hbm:s13], [sflag:s7] =	dma.local [spmem:s9], $0x2700  }
0xa4: {  	_ =	swait.ge [sflag:s19], $0x2700  }
0xa5: {  	[sflag:s19] =	ssyncset.done $0x0  }
0xa6: {  	s0 =	rddreg [dreg:$0xa];
	[sflag:s19] =	ssyncadd.s32 $0xFFFFD900  }
0xa7: {  	[hbm:s0], [sflag:s7] =	dma.local @!p0 [spmem:s10], $0x100  }
0xa8: {  	s0 =	simm.s32 @!p0 $0x7  }
0xa9: {  	_ =	swait.ge @!p0 [sflag:s0], $0x100  }
0xaa: {  	s8 =	sadd.s32 $0x1, s8;
	s14 =	rddreg [dreg:$0xb]  }
0xab: {  	p1 =	sne.s32 s8, s14  }
.Ltmp1:
0xac: {  	_ = 	snop;
	(pc) =	sbr.rel @p1 .LBB2_1-.Ltmp1, $3  }
0xad: {  	_ =	sdelay $0x1  }
0xae: {  	[sflag:s0] =	ssyncset.done @!p0 $0x0  }
0xaf: {  	[sflag:s0] =	ssyncadd.s32 @!p0 $0xFFFFFF00  }
0xb0: {  	_ =	sfence.sel $0x180000  }
0xb1: {  	[bflag:$0x0] =	sbarrier.arrive $0xFFFF  }
0xb2: {  	_ =	strace $0x9000004D  }
0xb3: {  	s0 =	stileid.u32;
	[bflag:$0x2] =	sbarrier.arrive $0xFFFF  }
0xb4: {  	p0 =	sne.s32 s0, $0x0;
	s0 =	rddreg [dreg:$0x2]  }
0xb5: {  	s0 =	sadd.s32 @!p0 $0x100000, s0  }
0xb6: {  	[sflag:s0] =	ssyncadd.tile.s32 @!p0 $0x1;
	_ =	shalt  }
.Lfunc_end2:
_tile_overlayer_lowered:
.L_overlay_start_2:
0xb7: {  	(tag) =	ssettag $0x2  }
0xb8: {  	s0 =	rddreg [dreg:$0x0];
	s2 =	stileid.u32  }
0xb9: {  	s1 =	rddreg [dreg:$0x1];
	p0 =	sne.s32 s2, $0x0  }
0xba: {  	s3 =	rddreg [dreg:$0x2];
	[bflag:$0x3] =	sbarrier.arrive $0xFFFF;
	s2 =	simm.s32 @!p0 $0x1C07  }
0xbb: {  	[timem:s3], [sflag:s2] =	dma.local @!p0 [hbm:s0], s1  }
0xbc: {  	s0 =	simm.s32 @!p0 $0x7  }
0xbd: {  	_ =	swait.ge @!p0 [sflag:s0], s1  }
0xbe: {  	s1 =	ssub.s32 @!p0 $0x0, s1;
	[sflag:s0] =	ssyncset.done @!p0 $0x0  }
0xbf: {  	[sflag:s0] =	ssyncadd.s32 @!p0 s1  }
0xc0: {  	[bflag:$0x3] =	sbarrier.arrive $0xFFFF  }
0xc1: {  	_ =	shalt  }

// kernel: kernel.9.cloned.1.call-start
scs
__scs_entry_jumppad:
0x0: {  	(pc) =	sbr.rel $0x88, $3  }
0x1: {  	(tag) =	ssettag $0x0;
	lr =	simm.s32 $0x1  }
0x2: {  	[smem:$0x3F95] =	sst lr;
	_ =	strace $0xD0000000  }
0x3: {  	_ = 	snop  }
0x4: {  	_ = 	snop  }
0x5: {  	_ = 	snop  }
0x6: {  	_ = 	snop  }
0x7: {  	_ = 	snop  }
__scs_overlays_trampoline_lowered:
0x8: {  	[smem:$0x3FA4] =	sst s0  }
0x9: {  	[smem:$0x3FA5] =	sst s1  }
0xa: {  	[smem:$0x3FA6] =	sst s2  }
0xb: {  	[smem:$0x3FA7] =	sst s3  }
0xc: {  	[smem:$0x3FA8] =	sst s4  }
0xd: {  	[smem:$0x3FA9] =	sst s5  }
0xe: {  	[smem:$0x3FAA] =	sst s6  }
0xf: {  	[smem:$0x3FAB] =	sst s7  }
0x10: {  	[smem:$0x3FAC] =	sst s8  }
0x11: {  	[smem:$0x3FAD] =	sst s9;
	s0 =	simm.s32 @!p0 $0x0  }
0x12: {  	s1 =	sld [smem:$0x3F93];
	s0 =	simm.s32 @p0 $0x1  }
0x13: {  	[smem:$0x3FAE] =	sst s0;
	s0 =	simm.s32 @!p1 $0x0  }
0x14: {  	s2 =	sld [smem:$0x3F92];
	s0 =	simm.s32 @p1 $0x1  }
0x15: {  	[smem:$0x3FAF] =	sst s0;
	s0 =	simm.s32 @!p2 $0x0  }
0x16: {  	s3 =	sld [smem:$0x3FDB];
	s0 =	simm.s32 @p2 $0x1  }
0x17: {  	s4 =	simm.s32 $0x1BF5;
	[smem:$0x3FB1] =	sst s0  }
0x18: {  	s0 =	sld [smem:$0x3F94];
	_ =	swait.ge [sflag:s4], $0x0  }
0x19: {  	s7 =	sld [smem:$0x3F95]  }
0x1a: {  	s8 =	sadd.s32 $0xFFFFE003, lr  }
0x1b: {  	s9 =	sadd.s32 $0xFFFFFEF7, lr;
	s5 =	simm.s32 $0xFFFFFFFF;
	p2 =	slt.u32 s8, $0xFFFFF086  }
0x1c: {  	p1 =	slt.u32 s9, $0xF7A;
	s5 =	simm.s32 @!p2 $0x0  }
0x1d: {  	s5 =	simm.s32 @p1 $0x1;
	p0 =	seq.s32 s7, s2  }
0x1e: {  	s7 =	smul.u32 @!p0 $0xF7A, s2;
	p2 =	seq.s32 @!p0 s5, $0x0  }
0x1f: {  	s9 =	smul.u32 $0xF7A, s1;
	s8 =	simm.s32 @!p0 $0x1BF5;
	p2 =	por !p2, p0  }
0x20: {  	[sflag:s8] =	ssyncset.s32 @!p0 $0xFFFFF086;
	s6 =	sadd.s32 @!p0 s3, s7;
	s7 =	simm.s32 @!p0 $0x108  }
0x21: {  	s3 =	sadd.s32 s3, s9;
	s6 =	sadd.s32 @!p0 $0x88, s6;
	s7 =	simm.s32 @p2 $0x1082  }
0x22: {  	[simem:s7], [sflag:s8] =	dma.local @!p0 [hbm:s6], $0xF7A  }
0x23: {  	s9 =	sor.u32 $0xD0000000, s2;
	s6 =	simm.s32 $0x108;
	_ =	swait.ge @!p0 [sflag:s8], $0x0  }
0x24: {  	s3 =	sadd.s32 $0x88, s3;
	s6 =	simm.s32 @!p1 $0x1082;
	[sflag:s4] =	ssyncset.s32 $0xFFFFF086  }
0x25: {  	[simem:s6], [sflag:s4] =	dma.local [hbm:s3], $0xF7A  }
0x26: {  	[smem:$0x3F95] =	sst s1;
	(tag) =	ssettag s2;
	_ =	strace s9  }
0x27: {  	s1 =	sld [smem:$0x3FA5]  }
0x28: {  	s2 =	sld [smem:$0x3FA6]  }
0x29: {  	s4 =	sld [smem:$0x3FA8]  }
0x2a: {  	p0 =	seq.s32 s5, $0x0;
	s5 =	sld [smem:$0x3FA9]  }
0x2b: {  	s6 =	sld [smem:$0x3FAA]  }
0x2c: {  	s7 =	sld [smem:$0x3FAB]  }
0x2d: {  	s3 =	simm.s32 $0x108;
	s8 =	sld [smem:$0x3FAC]  }
0x2e: {  	s3 =	simm.s32 @!p0 $0x1082;
	s9 =	sld [smem:$0x3FAD]  }
0x2f: {  	lr =	sadd.s32 s0, s3;
	s0 =	sld [smem:$0x3FA4]  }
0x30: {  	s3 =	sld [smem:$0x3FA7]  }
0x31: {  	[smem:$0x3FB0] =	sst s10  }
0x32: {  	s10 =	sld [smem:$0x3FAE];
	_ =	sdelay $0x3  }
0x33: {  	p0 =	seq.s32 s10, $0x1;
	s10 =	sld [smem:$0x3FB0];
	_ =	sdelay $0x3  }
0x34: {  	[smem:$0x3FB0] =	sst s10  }
0x35: {  	s10 =	sld [smem:$0x3FAF];
	_ =	sdelay $0x3  }
0x36: {  	p1 =	seq.s32 s10, $0x1;
	s10 =	sld [smem:$0x3FB0];
	_ =	sdelay $0x3  }
0x37: {  	[smem:$0x3FB0] =	sst s10  }
0x38: {  	s10 =	sld [smem:$0x3FB1]  }
0x39: {  	_ = 	snop;
	(pc) =	sbr.ind lr, $3  }
0x3a: {  	_ = 	snop  }
0x3b: {  	_ = 	snop  }
0x3c: {  	p2 =	seq.s32 s10, $0x1;
	s10 =	sld [smem:$0x3FB0]  }
0x3d: {  	_ =	shalt  }
0x3e: {  	_ =	shalt  }
0x3f: {  	_ =	shalt  }
0x40: {  	_ =	shalt  }
0x41: {  	_ =	shalt  }
0x42: {  	_ =	shalt  }
0x43: {  	_ =	shalt  }
0x44: {  	_ =	shalt  }
0x45: {  	_ =	shalt  }
0x46: {  	_ =	shalt  }
0x47: {  	_ =	shalt  }
0x48: {  	_ =	shalt  }
0x49: {  	_ =	shalt  }
0x4a: {  	_ =	shalt  }
0x4b: {  	_ =	shalt  }
0x4c: {  	_ =	shalt  }
0x4d: {  	_ =	shalt  }
0x4e: {  	_ =	shalt  }
0x4f: {  	_ =	shalt  }
0x50: {  	_ =	shalt  }
0x51: {  	_ =	shalt  }
0x52: {  	_ =	shalt  }
0x53: {  	_ =	shalt  }
0x54: {  	_ =	shalt  }
0x55: {  	_ =	shalt  }
0x56: {  	_ =	shalt  }
0x57: {  	_ =	shalt  }
0x58: {  	_ =	shalt  }
0x59: {  	_ =	shalt  }
0x5a: {  	_ =	shalt  }
0x5b: {  	_ =	shalt  }
0x5c: {  	_ =	shalt  }
0x5d: {  	_ =	shalt  }
0x5e: {  	_ =	shalt  }
0x5f: {  	_ =	shalt  }
0x60: {  	_ =	shalt  }
0x61: {  	_ =	shalt  }
0x62: {  	_ =	shalt  }
0x63: {  	_ =	shalt  }
0x64: {  	_ =	shalt  }
0x65: {  	_ =	shalt  }
0x66: {  	_ =	shalt  }
0x67: {  	_ =	shalt  }
0x68: {  	_ =	shalt  }
0x69: {  	_ =	shalt  }
0x6a: {  	_ =	shalt  }
0x6b: {  	_ =	shalt  }
0x6c: {  	_ =	shalt  }
0x6d: {  	_ =	shalt  }
0x6e: {  	_ =	shalt  }
0x6f: {  	_ =	shalt  }
0x70: {  	_ =	shalt  }
0x71: {  	_ =	shalt  }
0x72: {  	_ =	shalt  }
0x73: {  	_ =	shalt  }
0x74: {  	_ =	shalt  }
0x75: {  	_ =	shalt  }
0x76: {  	_ =	shalt  }
0x77: {  	_ =	shalt  }
0x78: {  	_ =	shalt  }
0x79: {  	_ =	shalt  }
0x7a: {  	_ =	shalt  }
0x7b: {  	_ =	shalt  }
0x7c: {  	_ =	shalt  }
0x7d: {  	_ =	shalt  }
0x7e: {  	_ =	shalt  }
0x7f: {  	_ =	shalt  }
0x80: {  	_ =	shalt  }
0x81: {  	_ =	shalt  }
0x82: {  	_ =	shalt  }
0x83: {  	_ =	shalt  }
0x84: {  	_ =	shalt  }
0x85: {  	_ =	shalt  }
0x86: {  	_ =	shalt  }
0x87: {  	_ =	shalt  }
.Lfunc_end0:
.L_simem_size_0:
called_computation_lowered:
.L_overlay_start_0:
0x88: {  	s2 =	sld [smem:$0x3FD9]  }
0x89: {  	s3 =	sld [smem:$0x3FFE];
	_ =	sdelay $0x1  }
0x8a: {  	s1 =	srdreg.scid  }
0x8b: {  	s0 =	sand.u32 $0x1, s1  }
0x8c: {  	s16 =	sshll.u32 s0, $0xA;
	s2 =	sadd.s32 s3, s2  }
0x8d: {  	s2 =	sadd.s32 s2, s16  }
0x8e: {  	[smem:$0x3FBC] =	sst s2  }
0x8f: {  	_ = 	snop  }
0x90: {  	(tm) =	ssettm $0x1  }
0x91: {  	s17 =	sld [smem:$0x3FFB];
	_ =	sdelay $0x3  }
0x92: {  	_ =	strace s17  }
0x93: {  	s2 =	sld [smem:$0x3FFC];
	_ =	sdelay $0x3  }
0x94: {  	_ =	strace s2  }
0x95: {  	s2 =	sld [smem:$0x3FFD];
	_ =	sdelay $0x3  }
0x96: {  	_ =	strace s2  }
0x97: {  	_ =	strace $0x8FFFFFFF  }
0x98: {  	s18 =	sld [smem:$0x3FDB];
	_ =	sdelay $0x1  }
0x99: {  	s19 =	simm.s32 $_scs_section_size  }
0x9a: {  	s4 =	simm.s32 $_size__tile_overlayer_lowered;
	s5 =	simm.s32 $_tile_overlayer_lowered  }
0x9b: {  	s22 =	simm.s32 $0x1BFF;
	s21 =	sshll.u32 s5, $0x1;
	s2 =	sadd.s32 s19, s18  }
0x9c: {  	s6 =	simm.s32 $0x0;
	s20 =	sshll.u32 s4, $0x1;
	s4 =	sadd.s32 s21, s2  }
0x9d: {  	[timem:s6], [sflag:s22] =	dma.local [hbm:s4], s20  }
0x9e: {  	_ =	swait.ge [sflag:s22], s20  }
0x9f: {  	s3 =	ssub.s32 $0x0, s20;
	[sflag:s22] =	ssyncset.done $0x0  }
0xa0: {  	[sflag:s22] =	ssyncadd.s32 s3;
	_ =	sdelay $0x1  }
0xa1: {  	s23 =	simm.s32 $0x1B8B  }
0xa2: {  	_ =	swait.ge [sflag:s23], $0x1  }
0xa3: {  	[sflag:s23] =	ssyncset.done $0x0  }
0xa4: {  	s25 =	simm.s32 $0x1B8E;
	s24 =	sld [smem:$0x3FFE];
	[sflag:s23] =	ssyncadd.s32 $0xFFFFFFFF  }
0xa5: {  	s26 =	simm.s32 $execute0_lowered;
	[smem:$0x3FD2] =	sst s25  }
0xa6: {  	s4 =	sshll.u32 s26, $0x1;
	_ =	strace $0x80000046;
	[dreg:$0x1] =	wrdreg $0xFFFFFFFF  }
0xa7: {  	s28 =	simm.s32 $_size_execute0_lowered;
	s2 =	sadd.s32 s2, s4;
	[dreg:$0x0] =	wrdreg $0x0  }
0xa8: {  	s4 =	sshll.u32 s28, $0x1;
	[dreg:$0x2] =	wrdreg s2  }
0xa9: {  	[dreg:$0x3] =	wrdreg s4  }
0xaa: {  	[dreg:$0x4] =	wrdreg $0xC0  }
0xab: {  	_ =	task [dreg:s6], $0x5FFFF  }
0xac: {  	[dreg:$0x1] =	wrdreg $0xFFFFFFFF  }
0xad: {  	[dreg:$0x0] =	wrdreg $0x60  }
0xae: {  	[dreg:$0x2] =	wrdreg s24  }
0xaf: {  	[dreg:$0x3] =	wrdreg $0x41800  }
0xb0: {  	[dreg:$0x4] =	wrdreg $0x9  }
0xb1: {  	_ =	task.clear_ibuf [dreg:s6], $0x5FFFF;
	_ =	strace $0x90000046  }
0xb2: {  	s29 =	simm.s32 $0x9;
	_ =	strace $0x80000048  }
0xb3: {  	_ =	swait.ge [sflag:s29], $0x1  }
0xb4: {  	[sflag:s29] =	ssyncadd.s32 $0xFFFFFFFF  }
0xb5: {  	_ =	strace $0x90000048  }
0xb6: {  	_ =	sfence  }
0xb7: {  	s30 =	sld [smem:$0x0];
	_ =	sdelay $0x2  }
0xb8: {  	s31 =	sshll.u32 s1, $0xD;
	s1 =	sshrl.u32 s1, $0x2  }
0xb9: {  	s3 =	sand.u32 $0x4000, s31;
	s1 =	sadd.s32 s1, s30  }
0xba: {  	s0 =	sor.u32 s3, s0;
	s1 =	sshll.u32 s1, $0x11  }
0xbb: {  	s0 =	sor.u32 s1, s0  }
0xbc: {  	s0 =	sadd.s32 $0x8F2B, s0  }
0xbd: {  	[sflag:s0] =	ssyncadd.remote.s32 $0x1  }
0xbe: {  	_ =	sfence.sel $0xFFFF  }
0xbf: {  	[dreg:$0x0] =	wrdreg $0xFFFFFFFF;
	(pc) =	sbr.abs _section_cstart, $3  }
0xc0: {  	[dreg:$0x1] =	wrdreg $0xFFFFFFFF  }
0xc1: {  	_ =	task.clear_ibuf [dreg:s6], $0x2FFFF;
	_ =	strace $0x9FFFFFFF  }
0xc2: {  	(tm) =	ssettm $0x7FFFFFFF  }
0xc3: {  	_ =	shalt  }
tec
execute0_lowered:
.L_overlay_start_1:
0x0: {  	(tag) =	ssettag $0x1  }
0x1: {  	s7 =	rddreg [dreg:$0x0]  }
0x2: {  	s2 =	rddreg [dreg:$0x1]  }
0x3: {  	s0 =	rddreg [dreg:$0x2];
	s3 =	simm.s32 $0x0  }
0x4: {  	s1 =	stileid.u32;
	s5 =	srdreg.scid;
	s19 =	simm.s32 $0x1  }
0x5: {  	s20 =	simm.s32 $0x2;
	s21 =	simm.s32 $0x3;
	[smem:$0x7FF] =	sst s3  }
0x6: {  	s9 =	smul.u32 $0x13800, s1;
	s13 =	sadd.s32 $0xCA00, s7;
	s4 =	sadd.s32 $0x3DA00, s7  }
0x7: {  	s8 =	sand.u32 $0x1, s5;
	s10 =	smul.u32 $0x4E000, s1;
	s11 =	sadd.s32 $0x3E200, s7  }
0x8: {  	s14 =	sshll.u32 s1, $0x1;
	s26 =	sshll.u32 s1, $0x6;
	s16 =	sadd.s32 $0x138000, s2  }
0x9: {  	s17 =	smul.u32 $0x4E20, s1;
	p0 =	sne.s32 s1, $0xF;
	_ =	strace $0x80000047  }
0xa: {  	s23 =	ssub.s32 $0x2, s8;
	s24 =	sor.u32 s8, s14;
	s28 =	smul.u32 $0x138800, s8  }
0xb: {  	s18 =	smul.u32 $0x2710, s8;
	s16 =	sshrl.u32 @!p0 s16, $0x3;
	s6 =	sshrl.u32 s9, $0x3  }
0xc: {  	s12 =	sshrl.u32 s23, $0x1;
	s10 =	sshrl.u32 s10, $0x2;
	s15 =	smul.u32 $0x2710, s24  }
0xd: {  	s24 =	simm.s32 $0x10;
	s22 =	sadd.s32 s6, s7;
	s12 =	ssub.s32 s23, s12  }
0xe: {  	s25 =	sadd.s32 s10, s2;
	s6 =	sor.u32 $0x1C05, s26;
	s7 =	sadd.s32 $0x3D800, s7  }
0xf: {  	s9 =	sadd.s32 s9, s28;
	s10 =	sshrl.u32 s28, $0x3;
	s29 =	sadd.s32 s18, s17  }
0x10: {  	s18 =	simm.s32 $0x80;
	s23 =	simm.s32 $0x100;
	s5 =	sadd.s32 $0x16800, s22  }
0x11: {  	s15 =	sshrl.u32 s15, $0x3;
	s9 =	sshrl.u32 s9, $0x3;
	s10 =	sadd.s32 s11, s10  }
0x12: {  	s17 =	sadd.s32 $0x80, s29;
	s30 =	sshrl.u32 s29, $0x3;
	s14 =	sshrl.u32 s25, $0x3  }
0x13: {  	s22 =	simm.s32 $0x4;
	s25 =	simm.s32 $0x0;
	s15 =	sadd.s32 s13, s15  }
0x14: {  	s9 =	sadd.s32 s11, s9;
	s10 =	sadd.s32 $0x27000, s10;
	s11 =	smax.u32 s12, $0x1  }
0x15: {  	s31 =	sshrl.u32 s17, $0x3;
	s12 =	sadd.s32 s30, s13;
	s17 =	simm.s32 $0x180  }
0x16: {  	s8 =	sadd.s32 $0x4E0, s15;
	s13 =	sadd.s32 s31, s13;
	s15 =	simm.s32 $0x5  }
.LBB2_1:
0x17: {  	[spmem:s14], [sflag:s6] =	dma.local [hbm:s5], $0x2700  }
0x18: {  	_ =	swait.ge [sflag:s15], $0x2700  }
0x19: {  	[sflag:s15] =	ssyncset.done $0x0  }
0x1a: {  	s26 =	simm.s32 @!p0 $0x5;
	[sflag:s15] =	ssyncadd.s32 $0xFFFFD900  }
0x1b: {  	[spmem:s16], [sflag:s6] =	dma.local @!p0 [hbm:s7], $0x110  }
0x1c: {  	_ =	swait.ge @!p0 [sflag:s26], $0x110  }
0x1d: {  	[sflag:s26] =	ssyncset.done @!p0 $0x0  }
0x1e: {  	[sflag:s26] =	ssyncadd.s32 @!p0 $0xFFFFFEF0  }
0x1f: {  	[tilespmem:s17], [sflag:$0x5] =	stream.linear.gather [hbm4b:s4+s3], $0x4000, $0x38;
	[tilespmem:$0x17A08] =	vst v63  }
0x20: {  	_ =	swait.ge [sflag:s15], $0x4000  }
0x21: {  	[sflag:s15] =	ssyncset.done $0x0  }
0x22: {  	[sflag:s15] =	ssyncadd.s32 $0xFFFFC000  }
0x23: {  	s30 =	sadd.s32 $0x0, s12;
	[bflag:$0x0] =	sbarrier.arrive $0xFFFF  }
0x24: {  	[tilespmem:s3], [sflag:$0x1] =	stream.linear.gather [hbm4b:s30+s3], $0x80, $0x38;
	[tilespmem:$0x17A08] =	vst v63  }
0x25: {  	s31 =	sadd.s32 $0x0, s13  }
0x26: {  	[tilespmem:s18], [sflag:$0x2] =	stream.linear.gather [hbm4b:s31+s3], $0x80, $0x38;
	[tilespmem:$0x17A08] =	vst v63  }
0x27: {  	_ =	swait.ge [sflag:s19], $0x80  }
0x28: {  	[sflag:s19] =	ssyncset.done $0x0  }
0x29: {  	[sflag:s19] =	ssyncadd.s32 $0xFFFFFF80  }
0x2a: {  	[spmem:s2] =	stream.indirect.scatter.add.f32 [tilespmem:s17], [sflag:$0x3], $0x80, s3, s18, $0xb8;
	[tilespmem:$0x17A08] =	vst v63  }
0x2b: {  	_ =	swait.ge [sflag:s20], $0x80  }
0x2c: {  	[sflag:s20] =	ssyncset.done $0x0  }
0x2d: {  	[sflag:s20] =	ssyncadd.s32 $0xFFFFFF80  }
0x2e: {  	[spmem:s2] =	stream.indirect.scatter.add.f32 [tilespmem:s17], [sflag:$0x4], $0x80, s18, s18, $0xb8;
	[tilespmem:$0x17A08] =	vst v63  }
0x2f: {  	_ =	swait.ge [sflag:s21], $0x4000  }
0x30: {  	[sflag:s21] =	ssyncset.done $0x0  }
0x31: {  	[sflag:s21] =	ssyncadd.s32 $0xFFFFC000  }
0x32: {  	_ =	swait.ge [sflag:s22], $0x4000  }
0x33: {  	s28 =	simm.s32 $0x40;
	s26 =	simm.s32 $0x20;
	[sflag:s22] =	ssyncset.done $0x0  }
.LBB2_2:
0x34: {  	s29 =	sadd.s32 s26, s12  }
0x35: {  	[sflag:s22] =	ssyncadd.s32 $0xFFFFC000;
	s30 =	smov.u32 s28;
	s31 =	sadd.s32 $0x20, s28  }
0x36: {  	[tilespmem:s3], [sflag:$0x1] =	stream.linear.gather [hbm4b:s29+s3], $0x80, $0x38;
	[tilespmem:$0x17A08] =	vst v63  }
0x37: {  	p1 =	sne.s32 s28, $0x4C0;
	s28 =	sadd.s32 s26, s13;
	s26 =	smov.u32 s30  }
0x38: {  	[tilespmem:s18], [sflag:$0x2] =	stream.linear.gather [hbm4b:s28+s3], $0x80, $0x38;
	[tilespmem:$0x17A08] =	vst v63  }
0x39: {  	_ =	swait.ge [sflag:s19], $0x80  }
0x3a: {  	[sflag:s19] =	ssyncset.done $0x0  }
0x3b: {  	[sflag:s19] =	ssyncadd.s32 $0xFFFFFF80  }
0x3c: {  	[spmem:s2] =	stream.indirect.scatter.add.f32 [tilespmem:s17], [sflag:$0x3], $0x80, s3, s18, $0xb8;
	[tilespmem:$0x17A08] =	vst v63  }
0x3d: {  	_ =	swait.ge [sflag:s20], $0x80  }
0x3e: {  	[sflag:s20] =	ssyncset.done $0x0  }
0x3f: {  	[sflag:s20] =	ssyncadd.s32 $0xFFFFFF80  }
0x40: {  	[spmem:s2] =	stream.indirect.scatter.add.f32 [tilespmem:s17], [sflag:$0x4], $0x80, s18, s18, $0xb8;
	[tilespmem:$0x17A08] =	vst v63  }
.Ltmp0:
0x41: {  	_ =	swait.ge [sflag:s21], $0x4000;
	(pc) =	sbr.rel @p1 .LBB2_2-.Ltmp0, $4  }
0x42: {  	[sflag:s21] =	ssyncset.done $0x0  }
0x43: {  	[sflag:s21] =	ssyncadd.s32 $0xFFFFC000  }
0x44: {  	_ =	swait.ge [sflag:s22], $0x4000  }
0x45: {  	s28 =	smov.u32 s31;
	[sflag:s22] =	ssyncset.done $0x0  }
0x46: {  	s28 =	sadd.s32 s26, s12;
	[sflag:s22] =	ssyncadd.s32 $0xFFFFC000  }
0x47: {  	[tilespmem:s3], [sflag:$0x1] =	stream.linear.gather [hbm4b:s28+s3], $0x80, $0x38;
	[tilespmem:$0x17A08] =	vst v63  }
0x48: {  	s31 =	sadd.s32 s26, s13  }
0x49: {  	[tilespmem:s18], [sflag:$0x2] =	stream.linear.gather [hbm4b:s31+s3], $0x80, $0x38;
	[tilespmem:$0x17A08] =	vst v63  }
0x4a: {  	_ =	swait.ge [sflag:s19], $0x80  }
0x4b: {  	[sflag:s19] =	ssyncset.done $0x0  }
0x4c: {  	[sflag:s19] =	ssyncadd.s32 $0xFFFFFF80  }
0x4d: {  	[spmem:s2] =	stream.indirect.scatter.add.f32 [tilespmem:s17], [sflag:$0x3], $0x80, s3, s18, $0xb8;
	[tilespmem:$0x17A08] =	vst v63  }
0x4e: {  	_ =	swait.ge [sflag:s20], $0x80  }
0x4f: {  	[sflag:s20] =	ssyncset.done $0x0  }
0x50: {  	[sflag:s20] =	ssyncadd.s32 $0xFFFFFF80  }
0x51: {  	[spmem:s2] =	stream.indirect.scatter.add.f32 [tilespmem:s17], [sflag:$0x4], $0x80, s18, s18, $0xb8;
	[tilespmem:$0x17A08] =	vst v63  }
0x52: {  	_ =	swait.ge [sflag:s21], $0x4000  }
0x53: {  	[sflag:s21] =	ssyncset.done $0x0  }
0x54: {  	[sflag:s21] =	ssyncadd.s32 $0xFFFFC000  }
0x55: {  	_ =	swait.ge [sflag:s22], $0x4000  }
0x56: {  	[sflag:s22] =	ssyncset.done $0x0  }
0x57: {  	[sflag:s22] =	ssyncadd.s32 $0xFFFFC000  }
0x58: {  	[tilespmem:s23], [sflag:$0x5] =	stream.linear.gather [hbm4b:s8+s3], $0x10, $0x38;
	[tilespmem:$0x17A08] =	vst v63  }
0x59: {  	_ =	swait.ge [sflag:s15], $0x10  }
0x5a: {  	[sflag:s15] =	ssyncset.done $0x0  }
0x5b: {  	[sflag:s15] =	ssyncadd.s32 $0xFFFFFFF0  }
0x5c: {  	[spmem:s2] =	stream.indirect.scatter.add.f32 [tilespmem:s17], [sflag:$0x5], $0x80, s23, s24, $0xb8;
	[tilespmem:$0x17A08] =	vst v63  }
0x5d: {  	_ =	swait.ge [sflag:s15], $0x800  }
0x5e: {  	[sflag:s15] =	ssyncset.done $0x0  }
0x5f: {  	[sflag:s15] =	ssyncadd.s32 $0xFFFFF800  }
0x60: {  	[bflag:$0x0] =	sbarrier.arrive $0xFFFF  }
0x61: {  	[hbm:s9], [sflag:s6] =	dma.local [spmem:s14], $0x2700  }
0x62: {  	s25 =	sadd.s32 $0x1, s25;
	_ =	swait.ge [sflag:s15], $0x2700  }
0x63: {  	p1 =	sne.s32 s25, s11;
	[sflag:s15] =	ssyncset.done $0x0  }
.Ltmp1:
0x64: {  	s26 =	simm.s32 @!p0 $0x5;
	[sflag:s15] =	ssyncadd.s32 $0xFFFFD900;
	(pc) =	sbr.rel @p1 .LBB2_1-.Ltmp1, $4  }
0x65: {  	[hbm:s10], [sflag:s6] =	dma.local @!p0 [spmem:s16], $0x100  }
0x66: {  	_ =	swait.ge @!p0 [sflag:s26], $0x100  }
0x67: {  	[sflag:s26] =	ssyncset.done @!p0 $0x0  }
0x68: {  	[sflag:s26] =	ssyncadd.s32 @!p0 $0xFFFFFF00  }
0x69: {  	_ =	sfence.sel $0x180000  }
0x6a: {  	[bflag:$0x0] =	sbarrier.arrive $0xFFFF  }
0x6b: {  	p0 =	sne.s32 s1, $0x0;
	_ =	strace $0x90000047  }
0x6c: {  	s0 =	sadd.s32 @!p0 $0x100000, s0;
	[bflag:$0x2] =	sbarrier.arrive $0xFFFF  }
0x6d: {  	[sflag:s0] =	ssyncadd.tile.s32 @!p0 $0x1;
	_ =	shalt  }
.Lfunc_end2:
_tile_overlayer_lowered:
.L_overlay_start_2:
0x6e: {  	(tag) =	ssettag $0x2  }
0x6f: {  	s0 =	rddreg [dreg:$0x0];
	s2 =	stileid.u32  }
0x70: {  	s1 =	rddreg [dreg:$0x1];
	p0 =	sne.s32 s2, $0x0  }
0x71: {  	s3 =	rddreg [dreg:$0x2];
	[bflag:$0x3] =	sbarrier.arrive $0xFFFF;
	s2 =	simm.s32 @!p0 $0x1C05  }
0x72: {  	[timem:s3], [sflag:s2] =	dma.local @!p0 [hbm:s0], s1  }
0x73: {  	s0 =	simm.s32 @!p0 $0x5  }
0x74: {  	_ =	swait.ge @!p0 [sflag:s0], s1  }
0x75: {  	s1 =	ssub.s32 @!p0 $0x0, s1;
	[sflag:s0] =	ssyncset.done @!p0 $0x0  }
0x76: {  	[sflag:s0] =	ssyncadd.s32 @!p0 s1  }
0x77: {  	[bflag:$0x3] =	sbarrier.arrive $0xFFFF  }
0x78: {  	_ =	shalt  }

</sc_bundles>
